<compile_context>
chip_gen: v7x
topology: tpu7x:2x2x1
jax: 0.10.2.dev20260603
libtpu: 0.0.44.dev20260713+nightly
codegen_flags: <defaults>
</compile_context>

<pallas_src>
import functools
import jax
import jax.numpy as jnp
from jax import lax
from jax.experimental import pallas as pl
from jax.experimental.pallas import tpu as pltpu
from jax.experimental.pallas import tpu_sc as plsc

NC = 2
NS = 16
NW = NC * NS
LANES = 16


def _split_window(chunk):
    for w, ws in ((10000, 320), (20000, 5120), (8192, 2048), (16, 0)):
        if chunk % w == 0 and (w - ws) % LANES == 0 and ((w - ws) // LANES) % 2 == 1:
            return w, ws
    return chunk, 0


def _sc_partials(idx, vals, num_segments):
    n = vals.shape[0]
    chunk = n // NW
    assert chunk * NW == n
    w, ws = _split_window(chunk)
    nwin = chunk // w
    wr = w - ws
    sub = wr // LANES
    assert num_segments % LANES == 0

    mesh = plsc.VectorSubcoreMesh(
        core_axis_name="c", subcore_axis_name="s", num_cores=NC, num_subcores=NS
    )

    @functools.partial(
        pl.kernel,
        out_type=jax.ShapeDtypeStruct((NW + NC, num_segments), jnp.float32),
        mesh=mesh,
        scratch_types=[
            pltpu.VMEM((ws,), jnp.int32),
            pltpu.VMEM((ws,), jnp.int32),
            pltpu.VMEM((ws,), jnp.float32),
            pltpu.VMEM((ws,), jnp.float32),
            pltpu.VMEM((wr,), jnp.int32),
            pltpu.VMEM((wr,), jnp.int32),
            pltpu.VMEM((wr,), jnp.float32),
            pltpu.VMEM((wr,), jnp.float32),
            pltpu.VMEM((num_segments,), jnp.float32),
            pltpu.VMEM_SHARED((num_segments,), jnp.float32),
            pltpu.SemaphoreType.DMA,
            pltpu.SemaphoreType.DMA,
            pltpu.SemaphoreType.DMA,
            pltpu.SemaphoreType.DMA,
            pltpu.SemaphoreType.DMA,
            pltpu.SemaphoreType.DMA,
        ],
        compiler_params=pltpu.CompilerParams(needs_layout_passes=False),
    )
    def sc_kernel(idx_hbm, val_hbm, part_hbm,
                  sidx0, sidx1, sval0, sval1,
                  ridx0, ridx1, rval0, rval1,
                  acc, spacc,
                  sem_in0, sem_in1, sem_sidx0, sem_sidx1, sem_st0, sem_st1):
        cid = lax.axis_index("c")
        sid = lax.axis_index("s")
        wid = sid * NC + cid
        base = pl.multiple_of(wid * chunk, 8)

        def zero_body(i, _):
            acc[pl.ds(i * LANES, LANES)] = jnp.zeros((LANES,), jnp.float32)
            return 0

        lax.fori_loop(0, num_segments // LANES, zero_body, 0)

        sidx_bufs = (sidx0, sidx1)
        sval_bufs = (sval0, sval1)
        ridx_bufs = (ridx0, ridx1)
        rval_bufs = (rval0, rval1)
        in_sems = (sem_in0, sem_in1)
        sidx_sems = (sem_sidx0, sem_sidx1)
        st_sems = (sem_st0, sem_st1)

        def start_in(widx):
            p = widx % 2
            wb = pl.multiple_of(base + widx * w, 8)
            wbr = pl.multiple_of(wb + ws, 8)
            d = [
                pltpu.async_copy(idx_hbm.at[pl.ds(wb, ws)], sidx_bufs[p], sidx_sems[p]),
                pltpu.async_copy(val_hbm.at[pl.ds(wb, ws)], sval_bufs[p], in_sems[p]),
                pltpu.async_copy(idx_hbm.at[pl.ds(wbr, wr)], ridx_bufs[p], in_sems[p]),
                pltpu.async_copy(val_hbm.at[pl.ds(wbr, wr)], rval_bufs[p], in_sems[p]),
            ]
            return d

        @pl.when(sid == 0)
        def _():
            pltpu.sync_copy(acc, spacc)

        pending = start_in(0)
        plsc.subcore_barrier()

        pos0 = lax.iota(jnp.int32, LANES) * sub
        stream_descs = [None] * nwin

        for widx in range(nwin):
            p = widx % 2
            for d in pending:
                d.wait()
            stream_descs[widx] = pltpu.async_copy(
                sval_bufs[p], spacc.at[sidx_bufs[p]], st_sems[p], add=True
            )
            if widx + 1 < nwin:
                if widx - 1 >= 0:
                    stream_descs[widx - 1].wait()
                pending = start_in(widx + 1)
            idxb = ridx_bufs[p]
            valb = rval_bufs[p]

            @plsc.parallel_loop(0, sub, unroll=8)
            def _(t):
                pos = pos0 + t
                iv = plsc.load_gather(idxb, [pos])
                vv = plsc.load_gather(valb, [pos])
                plsc.addupdate_scatter(acc, [iv], vv)

        if nwin >= 2:
            stream_descs[nwin - 2].wait()
        stream_descs[nwin - 1].wait()
        pltpu.sync_copy(acc, part_hbm.at[wid])
        plsc.subcore_barrier()

        @pl.when(sid == 0)
        def _():
            pltpu.sync_copy(spacc, part_hbm.at[NW + cid])

    return sc_kernel(idx, vals)


def _tc_combine(tensor2d, partials):
    def body(t_ref, p_ref, o_ref):
        o_ref[...] = t_ref[...] - jnp.sum(p_ref[...], axis=0, keepdims=True)

    return pl.pallas_call(
        body,
        out_shape=jax.ShapeDtypeStruct(tensor2d.shape, tensor2d.dtype),
    )(tensor2d, partials)


def kernel(tensor, batch_idx, atomic_numbers, element_references):
    num_segments = tensor.shape[0]
    idx = batch_idx.astype(jnp.int32)
    vals = atomic_numbers.astype(jnp.float32)
    partials = _sc_partials(idx, vals, num_segments)
    out2d = _tc_combine(tensor.reshape(1, -1), partials)
    return out2d.reshape(tensor.shape)

# --- scband reference (transcript-rebuilt; emitter-appended) ---
"""Pipeline reference for scband-element-references-23587960389771 (READ-ONLY COPY).

The authoritative reference and input builder live on the scoring server;
editing this copy changes nothing except your own understanding.
"""

import jax, jax.numpy as jnp
import numpy as np

B = 10000
N = 3200000
NUM_ELEM = 100

def setup_inputs(seed: int = 0) -> dict:
    key = jax.random.key(seed)
    k1, k2, k3 = jax.random.split(key, 3)
    tensor = jax.random.normal(k1, (B,), dtype=jnp.float32)
    batch_idx = jnp.sort(jax.random.randint(k2, (N,), 0, B))
    atomic_numbers = jax.random.randint(k3, (N,), 0, 84).astype(jnp.float32)
    element_references = jnp.zeros((NUM_ELEM,), dtype=jnp.float32)
    return {
        "tensor": tensor,
        "batch_idx": batch_idx,
        "atomic_numbers": atomic_numbers,
        "element_references": element_references,
    }

def reference(tensor, batch_idx, atomic_numbers, element_references):
    # Faithful translation of compute_references(..., operation='subtract'):
    #   refs = zeros(tensor.shape, dtype=elem_refs.dtype).scatter_reduce(0, batch_idx, atomic_numbers, reduce='sum')
    #   return tensor - refs
    src = atomic_numbers.astype(element_references.dtype)
    refs = jax.ops.segment_sum(src, batch_idx, num_segments=tensor.shape[0])
    return tensor - refs

if __name__ == "__main__":
    import jax
    _d = setup_inputs()
    print(jax.jit(kernel)(*tuple(_d.values())))

</pallas_src>

<mosaic_0001>
#map = affine_map<(d0, d1) -> (0)>
#map1 = affine_map<(d0, d1) -> (0, 0)>
module attributes {stable_mosaic.version = 14 : i64} {
  func.func @sc_kernel(%arg0: i32, %arg1: i32, %arg2: memref<3200000xi32, #tpu.memory_space<hbm>>, %arg3: memref<3200000xf32, #tpu.memory_space<hbm>>, %arg4: memref<34x10000xf32, #tpu.memory_space<hbm>>, %arg5: memref<320xi32, #tpu.memory_space<vmem>>, %arg6: memref<320xi32, #tpu.memory_space<vmem>>, %arg7: memref<320xf32, #tpu.memory_space<vmem>>, %arg8: memref<320xf32, #tpu.memory_space<vmem>>, %arg9: memref<9680xi32, #tpu.memory_space<vmem>>, %arg10: memref<9680xi32, #tpu.memory_space<vmem>>, %arg11: memref<9680xf32, #tpu.memory_space<vmem>>, %arg12: memref<9680xf32, #tpu.memory_space<vmem>>, %arg13: memref<10000xf32, #tpu.memory_space<vmem>>, %arg14: memref<10000xf32, #tpu.memory_space<vmem_shared>>, %arg15: memref<!tpu.dma_semaphore, #tpu.memory_space<semaphore_mem>>, %arg16: memref<!tpu.dma_semaphore, #tpu.memory_space<semaphore_mem>>, %arg17: memref<!tpu.dma_semaphore, #tpu.memory_space<semaphore_mem>>, %arg18: memref<!tpu.dma_semaphore, #tpu.memory_space<semaphore_mem>>, %arg19: memref<!tpu.dma_semaphore, #tpu.memory_space<semaphore_mem>>, %arg20: memref<!tpu.dma_semaphore, #tpu.memory_space<semaphore_mem>>) attributes {dimension_semantics = [#tpu.dimension_semantics<core_parallel>, #tpu.dimension_semantics<subcore_parallel>], iteration_bounds = array<i64: 2, 16>, scalar_prefetch = 0 : i64, scratch_operands = 16 : i64, tpu.core_type = #tpu.core_type<sc_vector_subcore>, window_params = [{transform_indices = #map}, {transform_indices = #map}, {transform_indices = #map1}]} {
    %mul3A = arith.constant 2 : i32
    %mul3A_0 = arith.muli %arg1, %mul3A : i32
    %add3A = arith.addi %mul3A_0, %arg0 : i32
    %mul3A_1 = arith.constant 100000 : i32
    %mul3A_2 = arith.muli %add3A, %mul3A_1 : i32
    %multiple_of3A = tpu.assume_multiple %mul3A_2, 8 : i32
    %scan3A = arith.constant 0 : i32
    %scan3A_3 = arith.constant 0 : i32
    %scan3A_4 = arith.constant 625 : i32
    %scan3A_5 = arith.addi %scan3A_3, %scan3A_4 : i32
    %scan3A_6 = arith.constant 1 : i32
    %scan3A_7 = scf.for %scan3A_307 = %scan3A_3 to %scan3A_5 step %scan3A_6 iter_args(%scan3A_308 = %scan3A) -> (i32)  : i32 {
      %broadcast_in_dim3A = arith.constant 0.000000e+00 : f32
      %broadcast_in_dim3A_309 = vector.broadcast %broadcast_in_dim3A : f32 to vector<16xf32>
      %mul3A_310 = arith.constant 16 : i32
      %mul3A_311 = arith.muli %scan3A_307, %mul3A_310 : i32
      %swap3A = arith.index_cast %mul3A_311 : i32 to index
      %swap3A_312 = tpu.vector_load %arg13[%swap3A] {strides = array<i32>} : memref<10000xf32, #tpu.memory_space<vmem>>, vector<16xf32>,
      tpu.vector_store %arg13[%swap3A], %broadcast_in_dim3A_309 {strides = array<i32>} : memref<10000xf32, #tpu.memory_space<vmem>>, vector<16xf32>,
      %scan3A_313 = arith.constant 0 : i32
      scf.yield %scan3A_313 : i32
    }
    %scan3A_8 = arith.constant 625 : i32
    %eq3A = arith.constant 0 : i32
    %eq3A_9 = arith.cmpi eq, %arg1, %eq3A : i32
    %convert_element_type3A = arith.extui %eq3A_9 : i1 to i32
    %cond3A = arith.constant 0 : i32
    %cond3A_10 = arith.cmpi ne, %convert_element_type3A, %cond3A : i32
    scf.if %cond3A_10 {
      "tpu.region"() ({
        %run_scoped3A = tpu.sem_alloc : memref<!tpu.dma_semaphore, #tpu.memory_space<semaphore_mem>>
        tpu.enqueue_dma source(%arg13 : memref<10000xf32, #tpu.memory_space<vmem>>) target(%arg14 : memref<10000xf32, #tpu.memory_space<vmem_shared>>) target_semaphore(%run_scoped3A : memref<!tpu.dma_semaphore, #tpu.memory_space<semaphore_mem>>)
        tpu.wait_dma2 semaphore(%run_scoped3A : memref<!tpu.dma_semaphore, #tpu.memory_space<semaphore_mem>>) src(%arg13 : memref<10000xf32, #tpu.memory_space<vmem>>) dst(%arg14 : memref<10000xf32, #tpu.memory_space<vmem_shared>>)
        tpu.yield
      }) : () -> ()
    } else {
    }
    %add3A_11 = arith.constant 0 : i32
    %add3A_12 = arith.addi %multiple_of3A, %add3A_11 : i32
    %multiple_of3A_13 = tpu.assume_multiple %add3A_12, 8 : i32
    %add3A_14 = arith.constant 320 : i32
    %add3A_15 = arith.addi %multiple_of3A_13, %add3A_14 : i32
    %multiple_of3A_16 = tpu.assume_multiple %add3A_15, 8 : i32
    %dma_start3A = tpu.memref_slice %arg2[%multiple_of3A_13] : memref<3200000xi32, #tpu.memory_space<hbm>> -> memref<320xi32, #tpu.memory_space<hbm>>
    %dma_start3A_17 = tpu.memref_slice %arg2[%multiple_of3A_13] : memref<3200000xi32, #tpu.memory_space<hbm>> -> memref<320xi32, #tpu.memory_space<hbm>>
    tpu.enqueue_dma source(%dma_start3A_17 : memref<320xi32, #tpu.memory_space<hbm>>) target(%arg5 : memref<320xi32, #tpu.memory_space<vmem>>) target_semaphore(%arg17 : memref<!tpu.dma_semaphore, #tpu.memory_space<semaphore_mem>>)
    %dma_start3A_18 = tpu.memref_slice %arg3[%multiple_of3A_13] : memref<3200000xf32, #tpu.memory_space<hbm>> -> memref<320xf32, #tpu.memory_space<hbm>>
    %dma_start3A_19 = tpu.memref_slice %arg3[%multiple_of3A_13] : memref<3200000xf32, #tpu.memory_space<hbm>> -> memref<320xf32, #tpu.memory_space<hbm>>
    tpu.enqueue_dma source(%dma_start3A_19 : memref<320xf32, #tpu.memory_space<hbm>>) target(%arg7 : memref<320xf32, #tpu.memory_space<vmem>>) target_semaphore(%arg15 : memref<!tpu.dma_semaphore, #tpu.memory_space<semaphore_mem>>)
    %dma_start3A_20 = tpu.memref_slice %arg2[%multiple_of3A_16] : memref<3200000xi32, #tpu.memory_space<hbm>> -> memref<9680xi32, #tpu.memory_space<hbm>>
    %dma_start3A_21 = tpu.memref_slice %arg2[%multiple_of3A_16] : memref<3200000xi32, #tpu.memory_space<hbm>> -> memref<9680xi32, #tpu.memory_space<hbm>>
    tpu.enqueue_dma source(%dma_start3A_21 : memref<9680xi32, #tpu.memory_space<hbm>>) target(%arg9 : memref<9680xi32, #tpu.memory_space<vmem>>) target_semaphore(%arg15 : memref<!tpu.dma_semaphore, #tpu.memory_space<semaphore_mem>>)
    %dma_start3A_22 = tpu.memref_slice %arg3[%multiple_of3A_16] : memref<3200000xf32, #tpu.memory_space<hbm>> -> memref<9680xf32, #tpu.memory_space<hbm>>
    %dma_start3A_23 = tpu.memref_slice %arg3[%multiple_of3A_16] : memref<3200000xf32, #tpu.memory_space<hbm>> -> memref<9680xf32, #tpu.memory_space<hbm>>
    tpu.enqueue_dma source(%dma_start3A_23 : memref<9680xf32, #tpu.memory_space<hbm>>) target(%arg11 : memref<9680xf32, #tpu.memory_space<vmem>>) target_semaphore(%arg15 : memref<!tpu.dma_semaphore, #tpu.memory_space<semaphore_mem>>)
    %barrier3A = arith.constant 0 : index
    tpu.barrier barrier_id(%barrier3A)
    %iota3A = tpu.iota {dimensions = array<i32: 0>} : vector<16xi32>
    %mul3A_24 = arith.constant 605 : i32
    %mul3A_25 = vector.broadcast %mul3A_24 : i32 to vector<16xi32>
    %mul3A_26 = arith.muli %iota3A, %mul3A_25 : vector<16xi32>
    %dma_wait3A = tpu.memref_slice %arg2[%multiple_of3A_13] : memref<3200000xi32, #tpu.memory_space<hbm>> -> memref<320xi32, #tpu.memory_space<hbm>>
    %dma_wait3A_27 = tpu.memref_slice %arg2[%multiple_of3A_13] : memref<3200000xi32, #tpu.memory_space<hbm>> -> memref<320xi32, #tpu.memory_space<hbm>>
    tpu.wait_dma2 semaphore(%arg17 : memref<!tpu.dma_semaphore, #tpu.memory_space<semaphore_mem>>) src(%dma_wait3A_27 : memref<320xi32, #tpu.memory_space<hbm>>) dst(%arg5 : memref<320xi32, #tpu.memory_space<vmem>>)
    %dma_wait3A_28 = tpu.memref_slice %arg3[%multiple_of3A_13] : memref<3200000xf32, #tpu.memory_space<hbm>> -> memref<320xf32, #tpu.memory_space<hbm>>
    %dma_wait3A_29 = tpu.memref_slice %arg3[%multiple_of3A_13] : memref<3200000xf32, #tpu.memory_space<hbm>> -> memref<320xf32, #tpu.memory_space<hbm>>
    tpu.wait_dma2 semaphore(%arg15 : memref<!tpu.dma_semaphore, #tpu.memory_space<semaphore_mem>>) src(%dma_wait3A_29 : memref<320xf32, #tpu.memory_space<hbm>>) dst(%arg7 : memref<320xf32, #tpu.memory_space<vmem>>)
    %dma_wait3A_30 = tpu.memref_slice %arg2[%multiple_of3A_16] : memref<3200000xi32, #tpu.memory_space<hbm>> -> memref<9680xi32, #tpu.memory_space<hbm>>
    %dma_wait3A_31 = tpu.memref_slice %arg2[%multiple_of3A_16] : memref<3200000xi32, #tpu.memory_space<hbm>> -> memref<9680xi32, #tpu.memory_space<hbm>>
    tpu.wait_dma2 semaphore(%arg15 : memref<!tpu.dma_semaphore, #tpu.memory_space<semaphore_mem>>) src(%dma_wait3A_31 : memref<9680xi32, #tpu.memory_space<hbm>>) dst(%arg9 : memref<9680xi32, #tpu.memory_space<vmem>>)
    %dma_wait3A_32 = tpu.memref_slice %arg3[%multiple_of3A_16] : memref<3200000xf32, #tpu.memory_space<hbm>> -> memref<9680xf32, #tpu.memory_space<hbm>>
    %dma_wait3A_33 = tpu.memref_slice %arg3[%multiple_of3A_16] : memref<3200000xf32, #tpu.memory_space<hbm>> -> memref<9680xf32, #tpu.memory_space<hbm>>
    tpu.wait_dma2 semaphore(%arg15 : memref<!tpu.dma_semaphore, #tpu.memory_space<semaphore_mem>>) src(%dma_wait3A_33 : memref<9680xf32, #tpu.memory_space<hbm>>) dst(%arg11 : memref<9680xf32, #tpu.memory_space<vmem>>)
    %dma_start3A_34 = arith.constant 0 : i32
    %dma_start3A_35 = tpu.memref_slice %arg14[%dma_start3A_34] : memref<10000xf32, #tpu.memory_space<vmem_shared>> -> memref<10000xf32, #tpu.memory_space<vmem_shared>>
    tpu.enqueue_indirect_dma source(%arg7 : memref<320xf32, #tpu.memory_space<vmem>>) target(%dma_start3A_35 : memref<10000xf32, #tpu.memory_space<vmem_shared>>) offsets(%arg5 : memref<320xi32, #tpu.memory_space<vmem>>) semaphore(%arg19 : memref<!tpu.dma_semaphore, #tpu.memory_space<semaphore_mem>>) {add = true}
    %add3A_36 = arith.constant 10000 : i32
    %add3A_37 = arith.addi %multiple_of3A, %add3A_36 : i32
    %multiple_of3A_38 = tpu.assume_multiple %add3A_37, 8 : i32
    %add3A_39 = arith.constant 320 : i32
    %add3A_40 = arith.addi %multiple_of3A_38, %add3A_39 : i32
    %multiple_of3A_41 = tpu.assume_multiple %add3A_40, 8 : i32
    %dma_start3A_42 = tpu.memref_slice %arg2[%multiple_of3A_38] : memref<3200000xi32, #tpu.memory_space<hbm>> -> memref<320xi32, #tpu.memory_space<hbm>>
    %dma_start3A_43 = tpu.memref_slice %arg2[%multiple_of3A_38] : memref<3200000xi32, #tpu.memory_space<hbm>> -> memref<320xi32, #tpu.memory_space<hbm>>
    tpu.enqueue_dma source(%dma_start3A_43 : memref<320xi32, #tpu.memory_space<hbm>>) target(%arg6 : memref<320xi32, #tpu.memory_space<vmem>>) target_semaphore(%arg18 : memref<!tpu.dma_semaphore, #tpu.memory_space<semaphore_mem>>)
    %dma_start3A_44 = tpu.memref_slice %arg3[%multiple_of3A_38] : memref<3200000xf32, #tpu.memory_space<hbm>> -> memref<320xf32, #tpu.memory_space<hbm>>
    %dma_start3A_45 = tpu.memref_slice %arg3[%multiple_of3A_38] : memref<3200000xf32, #tpu.memory_space<hbm>> -> memref<320xf32, #tpu.memory_space<hbm>>
    tpu.enqueue_dma source(%dma_start3A_45 : memref<320xf32, #tpu.memory_space<hbm>>) target(%arg8 : memref<320xf32, #tpu.memory_space<vmem>>) target_semaphore(%arg16 : memref<!tpu.dma_semaphore, #tpu.memory_space<semaphore_mem>>)
    %dma_start3A_46 = tpu.memref_slice %arg2[%multiple_of3A_41] : memref<3200000xi32, #tpu.memory_space<hbm>> -> memref<9680xi32, #tpu.memory_space<hbm>>
    %dma_start3A_47 = tpu.memref_slice %arg2[%multiple_of3A_41] : memref<3200000xi32, #tpu.memory_space<hbm>> -> memref<9680xi32, #tpu.memory_space<hbm>>
    tpu.enqueue_dma source(%dma_start3A_47 : memref<9680xi32, #tpu.memory_space<hbm>>) target(%arg10 : memref<9680xi32, #tpu.memory_space<vmem>>) target_semaphore(%arg16 : memref<!tpu.dma_semaphore, #tpu.memory_space<semaphore_mem>>)
    %dma_start3A_48 = tpu.memref_slice %arg3[%multiple_of3A_41] : memref<3200000xf32, #tpu.memory_space<hbm>> -> memref<9680xf32, #tpu.memory_space<hbm>>
    %dma_start3A_49 = tpu.memref_slice %arg3[%multiple_of3A_41] : memref<3200000xf32, #tpu.memory_space<hbm>> -> memref<9680xf32, #tpu.memory_space<hbm>>
    tpu.enqueue_dma source(%dma_start3A_49 : memref<9680xf32, #tpu.memory_space<hbm>>) target(%arg12 : memref<9680xf32, #tpu.memory_space<vmem>>) target_semaphore(%arg16 : memref<!tpu.dma_semaphore, #tpu.memory_space<semaphore_mem>>)
    %parallel_loop3A = arith.constant 0 : i32
    %parallel_loop3A_50 = arith.constant 605 : i32
    %parallel_loop3A_51 = arith.constant 1 : i32
    scf.for %parallel_loop3A_307 = %parallel_loop3A to %parallel_loop3A_50 step %parallel_loop3A_51  : i32 {
      %parallel_loop3A_308 = vector.broadcast %parallel_loop3A_307 : i32 to vector<16xi32>
      %parallel_loop3A_309 = arith.addi %mul3A_26, %parallel_loop3A_308 : vector<16xi32>
      %parallel_loop3A_310 = tpu.vector_load_idx %arg9[%parallel_loop3A_309] : memref<9680xi32, #tpu.memory_space<vmem>>[vector<16xi32>], vector<16xi32>,
      %parallel_loop3A_311 = tpu.vector_load_idx %arg11[%parallel_loop3A_309] : memref<9680xf32, #tpu.memory_space<vmem>>[vector<16xi32>], vector<16xf32>,
      tpu.vector_store_idx %arg13[%parallel_loop3A_310], %parallel_loop3A_311 {add = true} : memref<10000xf32, #tpu.memory_space<vmem>>[vector<16xi32>], vector<16xf32>,
    } {sc.loop_unroll_factor = 8 : i64, sc.parallel_access}
    %dma_wait3A_52 = tpu.memref_slice %arg2[%multiple_of3A_38] : memref<3200000xi32, #tpu.memory_space<hbm>> -> memref<320xi32, #tpu.memory_space<hbm>>
    %dma_wait3A_53 = tpu.memref_slice %arg2[%multiple_of3A_38] : memref<3200000xi32, #tpu.memory_space<hbm>> -> memref<320xi32, #tpu.memory_space<hbm>>
    tpu.wait_dma2 semaphore(%arg18 : memref<!tpu.dma_semaphore, #tpu.memory_space<semaphore_mem>>) src(%dma_wait3A_53 : memref<320xi32, #tpu.memory_space<hbm>>) dst(%arg6 : memref<320xi32, #tpu.memory_space<vmem>>)
    %dma_wait3A_54 = tpu.memref_slice %arg3[%multiple_of3A_38] : memref<3200000xf32, #tpu.memory_space<hbm>> -> memref<320xf32, #tpu.memory_space<hbm>>
    %dma_wait3A_55 = tpu.memref_slice %arg3[%multiple_of3A_38] : memref<3200000xf32, #tpu.memory_space<hbm>> -> memref<320xf32, #tpu.memory_space<hbm>>
    tpu.wait_dma2 semaphore(%arg16 : memref<!tpu.dma_semaphore, #tpu.memory_space<semaphore_mem>>) src(%dma_wait3A_55 : memref<320xf32, #tpu.memory_space<hbm>>) dst(%arg8 : memref<320xf32, #tpu.memory_space<vmem>>)
    %dma_wait3A_56 = tpu.memref_slice %arg2[%multiple_of3A_41] : memref<3200000xi32, #tpu.memory_space<hbm>> -> memref<9680xi32, #tpu.memory_space<hbm>>
    %dma_wait3A_57 = tpu.memref_slice %arg2[%multiple_of3A_41] : memref<3200000xi32, #tpu.memory_space<hbm>> -> memref<9680xi32, #tpu.memory_space<hbm>>
    tpu.wait_dma2 semaphore(%arg16 : memref<!tpu.dma_semaphore, #tpu.memory_space<semaphore_mem>>) src(%dma_wait3A_57 : memref<9680xi32, #tpu.memory_space<hbm>>) dst(%arg10 : memref<9680xi32, #tpu.memory_space<vmem>>)
    %dma_wait3A_58 = tpu.memref_slice %arg3[%multiple_of3A_41] : memref<3200000xf32, #tpu.memory_space<hbm>> -> memref<9680xf32, #tpu.memory_space<hbm>>
    %dma_wait3A_59 = tpu.memref_slice %arg3[%multiple_of3A_41] : memref<3200000xf32, #tpu.memory_space<hbm>> -> memref<9680xf32, #tpu.memory_space<hbm>>
    tpu.wait_dma2 semaphore(%arg16 : memref<!tpu.dma_semaphore, #tpu.memory_space<semaphore_mem>>) src(%dma_wait3A_59 : memref<9680xf32, #tpu.memory_space<hbm>>) dst(%arg12 : memref<9680xf32, #tpu.memory_space<vmem>>)
    %dma_start3A_60 = arith.constant 0 : i32
    %dma_start3A_61 = tpu.memref_slice %arg14[%dma_start3A_60] : memref<10000xf32, #tpu.memory_space<vmem_shared>> -> memref<10000xf32, #tpu.memory_space<vmem_shared>>
    tpu.enqueue_indirect_dma source(%arg8 : memref<320xf32, #tpu.memory_space<vmem>>) target(%dma_start3A_61 : memref<10000xf32, #tpu.memory_space<vmem_shared>>) offsets(%arg6 : memref<320xi32, #tpu.memory_space<vmem>>) semaphore(%arg20 : memref<!tpu.dma_semaphore, #tpu.memory_space<semaphore_mem>>) {add = true}
    %dma_wait3A_62 = arith.constant 0 : i32
    %dma_wait3A_63 = tpu.memref_slice %arg14[%dma_wait3A_62] : memref<10000xf32, #tpu.memory_space<vmem_shared>> -> memref<10000xf32, #tpu.memory_space<vmem_shared>>
    tpu.wait_indirect_dma semaphore(%arg19 : memref<!tpu.dma_semaphore, #tpu.memory_space<semaphore_mem>>) src(%arg7 : memref<320xf32, #tpu.memory_space<vmem>>) dst(%dma_wait3A_63 : memref<10000xf32, #tpu.memory_space<vmem_shared>>)
    %add3A_64 = arith.constant 20000 : i32
    %add3A_65 = arith.addi %multiple_of3A, %add3A_64 : i32
    %multiple_of3A_66 = tpu.assume_multiple %add3A_65, 8 : i32
    %add3A_67 = arith.constant 320 : i32
    %add3A_68 = arith.addi %multiple_of3A_66, %add3A_67 : i32
    %multiple_of3A_69 = tpu.assume_multiple %add3A_68, 8 : i32
    %dma_start3A_70 = tpu.memref_slice %arg2[%multiple_of3A_66] : memref<3200000xi32, #tpu.memory_space<hbm>> -> memref<320xi32, #tpu.memory_space<hbm>>
    %dma_start3A_71 = tpu.memref_slice %arg2[%multiple_of3A_66] : memref<3200000xi32, #tpu.memory_space<hbm>> -> memref<320xi32, #tpu.memory_space<hbm>>
    tpu.enqueue_dma source(%dma_start3A_71 : memref<320xi32, #tpu.memory_space<hbm>>) target(%arg5 : memref<320xi32, #tpu.memory_space<vmem>>) target_semaphore(%arg17 : memref<!tpu.dma_semaphore, #tpu.memory_space<semaphore_mem>>)
    %dma_start3A_72 = tpu.memref_slice %arg3[%multiple_of3A_66] : memref<3200000xf32, #tpu.memory_space<hbm>> -> memref<320xf32, #tpu.memory_space<hbm>>
    %dma_start3A_73 = tpu.memref_slice %arg3[%multiple_of3A_66] : memref<3200000xf32, #tpu.memory_space<hbm>> -> memref<320xf32, #tpu.memory_space<hbm>>
    tpu.enqueue_dma source(%dma_start3A_73 : memref<320xf32, #tpu.memory_space<hbm>>) target(%arg7 : memref<320xf32, #tpu.memory_space<vmem>>) target_semaphore(%arg15 : memref<!tpu.dma_semaphore, #tpu.memory_space<semaphore_mem>>)
    %dma_start3A_74 = tpu.memref_slice %arg2[%multiple_of3A_69] : memref<3200000xi32, #tpu.memory_space<hbm>> -> memref<9680xi32, #tpu.memory_space<hbm>>
    %dma_start3A_75 = tpu.memref_slice %arg2[%multiple_of3A_69] : memref<3200000xi32, #tpu.memory_space<hbm>> -> memref<9680xi32, #tpu.memory_space<hbm>>
    tpu.enqueue_dma source(%dma_start3A_75 : memref<9680xi32, #tpu.memory_space<hbm>>) target(%arg9 : memref<9680xi32, #tpu.memory_space<vmem>>) target_semaphore(%arg15 : memref<!tpu.dma_semaphore, #tpu.memory_space<semaphore_mem>>)
    %dma_start3A_76 = tpu.memref_slice %arg3[%multiple_of3A_69] : memref<3200000xf32, #tpu.memory_space<hbm>> -> memref<9680xf32, #tpu.memory_space<hbm>>
    %dma_start3A_77 = tpu.memref_slice %arg3[%multiple_of3A_69] : memref<3200000xf32, #tpu.memory_space<hbm>> -> memref<9680xf32, #tpu.memory_space<hbm>>
    tpu.enqueue_dma source(%dma_start3A_77 : memref<9680xf32, #tpu.memory_space<hbm>>) target(%arg11 : memref<9680xf32, #tpu.memory_space<vmem>>) target_semaphore(%arg15 : memref<!tpu.dma_semaphore, #tpu.memory_space<semaphore_mem>>)
    %parallel_loop3A_78 = arith.constant 0 : i32
    %parallel_loop3A_79 = arith.constant 605 : i32
    %parallel_loop3A_80 = arith.constant 1 : i32
    scf.for %parallel_loop3A_307 = %parallel_loop3A_78 to %parallel_loop3A_79 step %parallel_loop3A_80  : i32 {
      %parallel_loop3A_308 = vector.broadcast %parallel_loop3A_307 : i32 to vector<16xi32>
      %parallel_loop3A_309 = arith.addi %mul3A_26, %parallel_loop3A_308 : vector<16xi32>
      %parallel_loop3A_310 = tpu.vector_load_idx %arg10[%parallel_loop3A_309] : memref<9680xi32, #tpu.memory_space<vmem>>[vector<16xi32>], vector<16xi32>,
      %parallel_loop3A_311 = tpu.vector_load_idx %arg12[%parallel_loop3A_309] : memref<9680xf32, #tpu.memory_space<vmem>>[vector<16xi32>], vector<16xf32>,
      tpu.vector_store_idx %arg13[%parallel_loop3A_310], %parallel_loop3A_311 {add = true} : memref<10000xf32, #tpu.memory_space<vmem>>[vector<16xi32>], vector<16xf32>,
    } {sc.loop_unroll_factor = 8 : i64, sc.parallel_access}
    %dma_wait3A_81 = tpu.memref_slice %arg2[%multiple_of3A_66] : memref<3200000xi32, #tpu.memory_space<hbm>> -> memref<320xi32, #tpu.memory_space<hbm>>
    %dma_wait3A_82 = tpu.memref_slice %arg2[%multiple_of3A_66] : memref<3200000xi32, #tpu.memory_space<hbm>> -> memref<320xi32, #tpu.memory_space<hbm>>
    tpu.wait_dma2 semaphore(%arg17 : memref<!tpu.dma_semaphore, #tpu.memory_space<semaphore_mem>>) src(%dma_wait3A_82 : memref<320xi32, #tpu.memory_space<hbm>>) dst(%arg5 : memref<320xi32, #tpu.memory_space<vmem>>)
    %dma_wait3A_83 = tpu.memref_slice %arg3[%multiple_of3A_66] : memref<3200000xf32, #tpu.memory_space<hbm>> -> memref<320xf32, #tpu.memory_space<hbm>>
    %dma_wait3A_84 = tpu.memref_slice %arg3[%multiple_of3A_66] : memref<3200000xf32, #tpu.memory_space<hbm>> -> memref<320xf32, #tpu.memory_space<hbm>>
    tpu.wait_dma2 semaphore(%arg15 : memref<!tpu.dma_semaphore, #tpu.memory_space<semaphore_mem>>) src(%dma_wait3A_84 : memref<320xf32, #tpu.memory_space<hbm>>) dst(%arg7 : memref<320xf32, #tpu.memory_space<vmem>>)
    %dma_wait3A_85 = tpu.memref_slice %arg2[%multiple_of3A_69] : memref<3200000xi32, #tpu.memory_space<hbm>> -> memref<9680xi32, #tpu.memory_space<hbm>>
    %dma_wait3A_86 = tpu.memref_slice %arg2[%multiple_of3A_69] : memref<3200000xi32, #tpu.memory_space<hbm>> -> memref<9680xi32, #tpu.memory_space<hbm>>
    tpu.wait_dma2 semaphore(%arg15 : memref<!tpu.dma_semaphore, #tpu.memory_space<semaphore_mem>>) src(%dma_wait3A_86 : memref<9680xi32, #tpu.memory_space<hbm>>) dst(%arg9 : memref<9680xi32, #tpu.memory_space<vmem>>)
    %dma_wait3A_87 = tpu.memref_slice %arg3[%multiple_of3A_69] : memref<3200000xf32, #tpu.memory_space<hbm>> -> memref<9680xf32, #tpu.memory_space<hbm>>
    %dma_wait3A_88 = tpu.memref_slice %arg3[%multiple_of3A_69] : memref<3200000xf32, #tpu.memory_space<hbm>> -> memref<9680xf32, #tpu.memory_space<hbm>>
    tpu.wait_dma2 semaphore(%arg15 : memref<!tpu.dma_semaphore, #tpu.memory_space<semaphore_mem>>) src(%dma_wait3A_88 : memref<9680xf32, #tpu.memory_space<hbm>>) dst(%arg11 : memref<9680xf32, #tpu.memory_space<vmem>>)
    %dma_start3A_89 = arith.constant 0 : i32
    %dma_start3A_90 = tpu.memref_slice %arg14[%dma_start3A_89] : memref<10000xf32, #tpu.memory_space<vmem_shared>> -> memref<10000xf32, #tpu.memory_space<vmem_shared>>
    tpu.enqueue_indirect_dma source(%arg7 : memref<320xf32, #tpu.memory_space<vmem>>) target(%dma_start3A_90 : memref<10000xf32, #tpu.memory_space<vmem_shared>>) offsets(%arg5 : memref<320xi32, #tpu.memory_space<vmem>>) semaphore(%arg19 : memref<!tpu.dma_semaphore, #tpu.memory_space<semaphore_mem>>) {add = true}
    %dma_wait3A_91 = arith.constant 0 : i32
    %dma_wait3A_92 = tpu.memref_slice %arg14[%dma_wait3A_91] : memref<10000xf32, #tpu.memory_space<vmem_shared>> -> memref<10000xf32, #tpu.memory_space<vmem_shared>>
    tpu.wait_indirect_dma semaphore(%arg20 : memref<!tpu.dma_semaphore, #tpu.memory_space<semaphore_mem>>) src(%arg8 : memref<320xf32, #tpu.memory_space<vmem>>) dst(%dma_wait3A_92 : memref<10000xf32, #tpu.memory_space<vmem_shared>>)
    %add3A_93 = arith.constant 30000 : i32
    %add3A_94 = arith.addi %multiple_of3A, %add3A_93 : i32
    %multiple_of3A_95 = tpu.assume_multiple %add3A_94, 8 : i32
    %add3A_96 = arith.constant 320 : i32
    %add3A_97 = arith.addi %multiple_of3A_95, %add3A_96 : i32
    %multiple_of3A_98 = tpu.assume_multiple %add3A_97, 8 : i32
    %dma_start3A_99 = tpu.memref_slice %arg2[%multiple_of3A_95] : memref<3200000xi32, #tpu.memory_space<hbm>> -> memref<320xi32, #tpu.memory_space<hbm>>
    %dma_start3A_100 = tpu.memref_slice %arg2[%multiple_of3A_95] : memref<3200000xi32, #tpu.memory_space<hbm>> -> memref<320xi32, #tpu.memory_space<hbm>>
    tpu.enqueue_dma source(%dma_start3A_100 : memref<320xi32, #tpu.memory_space<hbm>>) target(%arg6 : memref<320xi32, #tpu.memory_space<vmem>>) target_semaphore(%arg18 : memref<!tpu.dma_semaphore, #tpu.memory_space<semaphore_mem>>)
    %dma_start3A_101 = tpu.memref_slice %arg3[%multiple_of3A_95] : memref<3200000xf32, #tpu.memory_space<hbm>> -> memref<320xf32, #tpu.memory_space<hbm>>
    %dma_start3A_102 = tpu.memref_slice %arg3[%multiple_of3A_95] : memref<3200000xf32, #tpu.memory_space<hbm>> -> memref<320xf32, #tpu.memory_space<hbm>>
    tpu.enqueue_dma source(%dma_start3A_102 : memref<320xf32, #tpu.memory_space<hbm>>) target(%arg8 : memref<320xf32, #tpu.memory_space<vmem>>) target_semaphore(%arg16 : memref<!tpu.dma_semaphore, #tpu.memory_space<semaphore_mem>>)
    %dma_start3A_103 = tpu.memref_slice %arg2[%multiple_of3A_98] : memref<3200000xi32, #tpu.memory_space<hbm>> -> memref<9680xi32, #tpu.memory_space<hbm>>
    %dma_start3A_104 = tpu.memref_slice %arg2[%multiple_of3A_98] : memref<3200000xi32, #tpu.memory_space<hbm>> -> memref<9680xi32, #tpu.memory_space<hbm>>
    tpu.enqueue_dma source(%dma_start3A_104 : memref<9680xi32, #tpu.memory_space<hbm>>) target(%arg10 : memref<9680xi32, #tpu.memory_space<vmem>>) target_semaphore(%arg16 : memref<!tpu.dma_semaphore, #tpu.memory_space<semaphore_mem>>)
    %dma_start3A_105 = tpu.memref_slice %arg3[%multiple_of3A_98] : memref<3200000xf32, #tpu.memory_space<hbm>> -> memref<9680xf32, #tpu.memory_space<hbm>>
    %dma_start3A_106 = tpu.memref_slice %arg3[%multiple_of3A_98] : memref<3200000xf32, #tpu.memory_space<hbm>> -> memref<9680xf32, #tpu.memory_space<hbm>>
    tpu.enqueue_dma source(%dma_start3A_106 : memref<9680xf32, #tpu.memory_space<hbm>>) target(%arg12 : memref<9680xf32, #tpu.memory_space<vmem>>) target_semaphore(%arg16 : memref<!tpu.dma_semaphore, #tpu.memory_space<semaphore_mem>>)
    %parallel_loop3A_107 = arith.constant 0 : i32
    %parallel_loop3A_108 = arith.constant 605 : i32
    %parallel_loop3A_109 = arith.constant 1 : i32
    scf.for %parallel_loop3A_307 = %parallel_loop3A_107 to %parallel_loop3A_108 step %parallel_loop3A_109  : i32 {
      %parallel_loop3A_308 = vector.broadcast %parallel_loop3A_307 : i32 to vector<16xi32>
      %parallel_loop3A_309 = arith.addi %mul3A_26, %parallel_loop3A_308 : vector<16xi32>
      %parallel_loop3A_310 = tpu.vector_load_idx %arg9[%parallel_loop3A_309] : memref<9680xi32, #tpu.memory_space<vmem>>[vector<16xi32>], vector<16xi32>,
      %parallel_loop3A_311 = tpu.vector_load_idx %arg11[%parallel_loop3A_309] : memref<9680xf32, #tpu.memory_space<vmem>>[vector<16xi32>], vector<16xf32>,
      tpu.vector_store_idx %arg13[%parallel_loop3A_310], %parallel_loop3A_311 {add = true} : memref<10000xf32, #tpu.memory_space<vmem>>[vector<16xi32>], vector<16xf32>,
    } {sc.loop_unroll_factor = 8 : i64, sc.parallel_access}
    %dma_wait3A_110 = tpu.memref_slice %arg2[%multiple_of3A_95] : memref<3200000xi32, #tpu.memory_space<hbm>> -> memref<320xi32, #tpu.memory_space<hbm>>
    %dma_wait3A_111 = tpu.memref_slice %arg2[%multiple_of3A_95] : memref<3200000xi32, #tpu.memory_space<hbm>> -> memref<320xi32, #tpu.memory_space<hbm>>
    tpu.wait_dma2 semaphore(%arg18 : memref<!tpu.dma_semaphore, #tpu.memory_space<semaphore_mem>>) src(%dma_wait3A_111 : memref<320xi32, #tpu.memory_space<hbm>>) dst(%arg6 : memref<320xi32, #tpu.memory_space<vmem>>)
    %dma_wait3A_112 = tpu.memref_slice %arg3[%multiple_of3A_95] : memref<3200000xf32, #tpu.memory_space<hbm>> -> memref<320xf32, #tpu.memory_space<hbm>>
    %dma_wait3A_113 = tpu.memref_slice %arg3[%multiple_of3A_95] : memref<3200000xf32, #tpu.memory_space<hbm>> -> memref<320xf32, #tpu.memory_space<hbm>>
    tpu.wait_dma2 semaphore(%arg16 : memref<!tpu.dma_semaphore, #tpu.memory_space<semaphore_mem>>) src(%dma_wait3A_113 : memref<320xf32, #tpu.memory_space<hbm>>) dst(%arg8 : memref<320xf32, #tpu.memory_space<vmem>>)
    %dma_wait3A_114 = tpu.memref_slice %arg2[%multiple_of3A_98] : memref<3200000xi32, #tpu.memory_space<hbm>> -> memref<9680xi32, #tpu.memory_space<hbm>>
    %dma_wait3A_115 = tpu.memref_slice %arg2[%multiple_of3A_98] : memref<3200000xi32, #tpu.memory_space<hbm>> -> memref<9680xi32, #tpu.memory_space<hbm>>
    tpu.wait_dma2 semaphore(%arg16 : memref<!tpu.dma_semaphore, #tpu.memory_space<semaphore_mem>>) src(%dma_wait3A_115 : memref<9680xi32, #tpu.memory_space<hbm>>) dst(%arg10 : memref<9680xi32, #tpu.memory_space<vmem>>)
    %dma_wait3A_116 = tpu.memref_slice %arg3[%multiple_of3A_98] : memref<3200000xf32, #tpu.memory_space<hbm>> -> memref<9680xf32, #tpu.memory_space<hbm>>
    %dma_wait3A_117 = tpu.memref_slice %arg3[%multiple_of3A_98] : memref<3200000xf32, #tpu.memory_space<hbm>> -> memref<9680xf32, #tpu.memory_space<hbm>>
    tpu.wait_dma2 semaphore(%arg16 : memref<!tpu.dma_semaphore, #tpu.memory_space<semaphore_mem>>) src(%dma_wait3A_117 : memref<9680xf32, #tpu.memory_space<hbm>>) dst(%arg12 : memref<9680xf32, #tpu.memory_space<vmem>>)
    %dma_start3A_118 = arith.constant 0 : i32
    %dma_start3A_119 = tpu.memref_slice %arg14[%dma_start3A_118] : memref<10000xf32, #tpu.memory_space<vmem_shared>> -> memref<10000xf32, #tpu.memory_space<vmem_shared>>
    tpu.enqueue_indirect_dma source(%arg8 : memref<320xf32, #tpu.memory_space<vmem>>) target(%dma_start3A_119 : memref<10000xf32, #tpu.memory_space<vmem_shared>>) offsets(%arg6 : memref<320xi32, #tpu.memory_space<vmem>>) semaphore(%arg20 : memref<!tpu.dma_semaphore, #tpu.memory_space<semaphore_mem>>) {add = true}
    %dma_wait3A_120 = arith.constant 0 : i32
    %dma_wait3A_121 = tpu.memref_slice %arg14[%dma_wait3A_120] : memref<10000xf32, #tpu.memory_space<vmem_shared>> -> memref<10000xf32, #tpu.memory_space<vmem_shared>>
    tpu.wait_indirect_dma semaphore(%arg19 : memref<!tpu.dma_semaphore, #tpu.memory_space<semaphore_mem>>) src(%arg7 : memref<320xf32, #tpu.memory_space<vmem>>) dst(%dma_wait3A_121 : memref<10000xf32, #tpu.memory_space<vmem_shared>>)
    %add3A_122 = arith.constant 40000 : i32
    %add3A_123 = arith.addi %multiple_of3A, %add3A_122 : i32
    %multiple_of3A_124 = tpu.assume_multiple %add3A_123, 8 : i32
    %add3A_125 = arith.constant 320 : i32
    %add3A_126 = arith.addi %multiple_of3A_124, %add3A_125 : i32
    %multiple_of3A_127 = tpu.assume_multiple %add3A_126, 8 : i32
    %dma_start3A_128 = tpu.memref_slice %arg2[%multiple_of3A_124] : memref<3200000xi32, #tpu.memory_space<hbm>> -> memref<320xi32, #tpu.memory_space<hbm>>
    %dma_start3A_129 = tpu.memref_slice %arg2[%multiple_of3A_124] : memref<3200000xi32, #tpu.memory_space<hbm>> -> memref<320xi32, #tpu.memory_space<hbm>>
    tpu.enqueue_dma source(%dma_start3A_129 : memref<320xi32, #tpu.memory_space<hbm>>) target(%arg5 : memref<320xi32, #tpu.memory_space<vmem>>) target_semaphore(%arg17 : memref<!tpu.dma_semaphore, #tpu.memory_space<semaphore_mem>>)
    %dma_start3A_130 = tpu.memref_slice %arg3[%multiple_of3A_124] : memref<3200000xf32, #tpu.memory_space<hbm>> -> memref<320xf32, #tpu.memory_space<hbm>>
    %dma_start3A_131 = tpu.memref_slice %arg3[%multiple_of3A_124] : memref<3200000xf32, #tpu.memory_space<hbm>> -> memref<320xf32, #tpu.memory_space<hbm>>
    tpu.enqueue_dma source(%dma_start3A_131 : memref<320xf32, #tpu.memory_space<hbm>>) target(%arg7 : memref<320xf32, #tpu.memory_space<vmem>>) target_semaphore(%arg15 : memref<!tpu.dma_semaphore, #tpu.memory_space<semaphore_mem>>)
    %dma_start3A_132 = tpu.memref_slice %arg2[%multiple_of3A_127] : memref<3200000xi32, #tpu.memory_space<hbm>> -> memref<9680xi32, #tpu.memory_space<hbm>>
    %dma_start3A_133 = tpu.memref_slice %arg2[%multiple_of3A_127] : memref<3200000xi32, #tpu.memory_space<hbm>> -> memref<9680xi32, #tpu.memory_space<hbm>>
    tpu.enqueue_dma source(%dma_start3A_133 : memref<9680xi32, #tpu.memory_space<hbm>>) target(%arg9 : memref<9680xi32, #tpu.memory_space<vmem>>) target_semaphore(%arg15 : memref<!tpu.dma_semaphore, #tpu.memory_space<semaphore_mem>>)
    %dma_start3A_134 = tpu.memref_slice %arg3[%multiple_of3A_127] : memref<3200000xf32, #tpu.memory_space<hbm>> -> memref<9680xf32, #tpu.memory_space<hbm>>
    %dma_start3A_135 = tpu.memref_slice %arg3[%multiple_of3A_127] : memref<3200000xf32, #tpu.memory_space<hbm>> -> memref<9680xf32, #tpu.memory_space<hbm>>
    tpu.enqueue_dma source(%dma_start3A_135 : memref<9680xf32, #tpu.memory_space<hbm>>) target(%arg11 : memref<9680xf32, #tpu.memory_space<vmem>>) target_semaphore(%arg15 : memref<!tpu.dma_semaphore, #tpu.memory_space<semaphore_mem>>)
    %parallel_loop3A_136 = arith.constant 0 : i32
    %parallel_loop3A_137 = arith.constant 605 : i32
    %parallel_loop3A_138 = arith.constant 1 : i32
    scf.for %parallel_loop3A_307 = %parallel_loop3A_136 to %parallel_loop3A_137 step %parallel_loop3A_138  : i32 {
      %parallel_loop3A_308 = vector.broadcast %parallel_loop3A_307 : i32 to vector<16xi32>
      %parallel_loop3A_309 = arith.addi %mul3A_26, %parallel_loop3A_308 : vector<16xi32>
      %parallel_loop3A_310 = tpu.vector_load_idx %arg10[%parallel_loop3A_309] : memref<9680xi32, #tpu.memory_space<vmem>>[vector<16xi32>], vector<16xi32>,
      %parallel_loop3A_311 = tpu.vector_load_idx %arg12[%parallel_loop3A_309] : memref<9680xf32, #tpu.memory_space<vmem>>[vector<16xi32>], vector<16xf32>,
      tpu.vector_store_idx %arg13[%parallel_loop3A_310], %parallel_loop3A_311 {add = true} : memref<10000xf32, #tpu.memory_space<vmem>>[vector<16xi32>], vector<16xf32>,
    } {sc.loop_unroll_factor = 8 : i64, sc.parallel_access}
    %dma_wait3A_139 = tpu.memref_slice %arg2[%multiple_of3A_124] : memref<3200000xi32, #tpu.memory_space<hbm>> -> memref<320xi32, #tpu.memory_space<hbm>>
    %dma_wait3A_140 = tpu.memref_slice %arg2[%multiple_of3A_124] : memref<3200000xi32, #tpu.memory_space<hbm>> -> memref<320xi32, #tpu.memory_space<hbm>>
    tpu.wait_dma2 semaphore(%arg17 : memref<!tpu.dma_semaphore, #tpu.memory_space<semaphore_mem>>) src(%dma_wait3A_140 : memref<320xi32, #tpu.memory_space<hbm>>) dst(%arg5 : memref<320xi32, #tpu.memory_space<vmem>>)
    %dma_wait3A_141 = tpu.memref_slice %arg3[%multiple_of3A_124] : memref<3200000xf32, #tpu.memory_space<hbm>> -> memref<320xf32, #tpu.memory_space<hbm>>
    %dma_wait3A_142 = tpu.memref_slice %arg3[%multiple_of3A_124] : memref<3200000xf32, #tpu.memory_space<hbm>> -> memref<320xf32, #tpu.memory_space<hbm>>
    tpu.wait_dma2 semaphore(%arg15 : memref<!tpu.dma_semaphore, #tpu.memory_space<semaphore_mem>>) src(%dma_wait3A_142 : memref<320xf32, #tpu.memory_space<hbm>>) dst(%arg7 : memref<320xf32, #tpu.memory_space<vmem>>)
    %dma_wait3A_143 = tpu.memref_slice %arg2[%multiple_of3A_127] : memref<3200000xi32, #tpu.memory_space<hbm>> -> memref<9680xi32, #tpu.memory_space<hbm>>
    %dma_wait3A_144 = tpu.memref_slice %arg2[%multiple_of3A_127] : memref<3200000xi32, #tpu.memory_space<hbm>> -> memref<9680xi32, #tpu.memory_space<hbm>>
    tpu.wait_dma2 semaphore(%arg15 : memref<!tpu.dma_semaphore, #tpu.memory_space<semaphore_mem>>) src(%dma_wait3A_144 : memref<9680xi32, #tpu.memory_space<hbm>>) dst(%arg9 : memref<9680xi32, #tpu.memory_space<vmem>>)
    %dma_wait3A_145 = tpu.memref_slice %arg3[%multiple_of3A_127] : memref<3200000xf32, #tpu.memory_space<hbm>> -> memref<9680xf32, #tpu.memory_space<hbm>>
    %dma_wait3A_146 = tpu.memref_slice %arg3[%multiple_of3A_127] : memref<3200000xf32, #tpu.memory_space<hbm>> -> memref<9680xf32, #tpu.memory_space<hbm>>
    tpu.wait_dma2 semaphore(%arg15 : memref<!tpu.dma_semaphore, #tpu.memory_space<semaphore_mem>>) src(%dma_wait3A_146 : memref<9680xf32, #tpu.memory_space<hbm>>) dst(%arg11 : memref<9680xf32, #tpu.memory_space<vmem>>)
    %dma_start3A_147 = arith.constant 0 : i32
    %dma_start3A_148 = tpu.memref_slice %arg14[%dma_start3A_147] : memref<10000xf32, #tpu.memory_space<vmem_shared>> -> memref<10000xf32, #tpu.memory_space<vmem_shared>>
    tpu.enqueue_indirect_dma source(%arg7 : memref<320xf32, #tpu.memory_space<vmem>>) target(%dma_start3A_148 : memref<10000xf32, #tpu.memory_space<vmem_shared>>) offsets(%arg5 : memref<320xi32, #tpu.memory_space<vmem>>) semaphore(%arg19 : memref<!tpu.dma_semaphore, #tpu.memory_space<semaphore_mem>>) {add = true}
    %dma_wait3A_149 = arith.constant 0 : i32
    %dma_wait3A_150 = tpu.memref_slice %arg14[%dma_wait3A_149] : memref<10000xf32, #tpu.memory_space<vmem_shared>> -> memref<10000xf32, #tpu.memory_space<vmem_shared>>
    tpu.wait_indirect_dma semaphore(%arg20 : memref<!tpu.dma_semaphore, #tpu.memory_space<semaphore_mem>>) src(%arg8 : memref<320xf32, #tpu.memory_space<vmem>>) dst(%dma_wait3A_150 : memref<10000xf32, #tpu.memory_space<vmem_shared>>)
    %add3A_151 = arith.constant 50000 : i32
    %add3A_152 = arith.addi %multiple_of3A, %add3A_151 : i32
    %multiple_of3A_153 = tpu.assume_multiple %add3A_152, 8 : i32
    %add3A_154 = arith.constant 320 : i32
    %add3A_155 = arith.addi %multiple_of3A_153, %add3A_154 : i32
    %multiple_of3A_156 = tpu.assume_multiple %add3A_155, 8 : i32
    %dma_start3A_157 = tpu.memref_slice %arg2[%multiple_of3A_153] : memref<3200000xi32, #tpu.memory_space<hbm>> -> memref<320xi32, #tpu.memory_space<hbm>>
    %dma_start3A_158 = tpu.memref_slice %arg2[%multiple_of3A_153] : memref<3200000xi32, #tpu.memory_space<hbm>> -> memref<320xi32, #tpu.memory_space<hbm>>
    tpu.enqueue_dma source(%dma_start3A_158 : memref<320xi32, #tpu.memory_space<hbm>>) target(%arg6 : memref<320xi32, #tpu.memory_space<vmem>>) target_semaphore(%arg18 : memref<!tpu.dma_semaphore, #tpu.memory_space<semaphore_mem>>)
    %dma_start3A_159 = tpu.memref_slice %arg3[%multiple_of3A_153] : memref<3200000xf32, #tpu.memory_space<hbm>> -> memref<320xf32, #tpu.memory_space<hbm>>
    %dma_start3A_160 = tpu.memref_slice %arg3[%multiple_of3A_153] : memref<3200000xf32, #tpu.memory_space<hbm>> -> memref<320xf32, #tpu.memory_space<hbm>>
    tpu.enqueue_dma source(%dma_start3A_160 : memref<320xf32, #tpu.memory_space<hbm>>) target(%arg8 : memref<320xf32, #tpu.memory_space<vmem>>) target_semaphore(%arg16 : memref<!tpu.dma_semaphore, #tpu.memory_space<semaphore_mem>>)
    %dma_start3A_161 = tpu.memref_slice %arg2[%multiple_of3A_156] : memref<3200000xi32, #tpu.memory_space<hbm>> -> memref<9680xi32, #tpu.memory_space<hbm>>
    %dma_start3A_162 = tpu.memref_slice %arg2[%multiple_of3A_156] : memref<3200000xi32, #tpu.memory_space<hbm>> -> memref<9680xi32, #tpu.memory_space<hbm>>
    tpu.enqueue_dma source(%dma_start3A_162 : memref<9680xi32, #tpu.memory_space<hbm>>) target(%arg10 : memref<9680xi32, #tpu.memory_space<vmem>>) target_semaphore(%arg16 : memref<!tpu.dma_semaphore, #tpu.memory_space<semaphore_mem>>)
    %dma_start3A_163 = tpu.memref_slice %arg3[%multiple_of3A_156] : memref<3200000xf32, #tpu.memory_space<hbm>> -> memref<9680xf32, #tpu.memory_space<hbm>>
    %dma_start3A_164 = tpu.memref_slice %arg3[%multiple_of3A_156] : memref<3200000xf32, #tpu.memory_space<hbm>> -> memref<9680xf32, #tpu.memory_space<hbm>>
    tpu.enqueue_dma source(%dma_start3A_164 : memref<9680xf32, #tpu.memory_space<hbm>>) target(%arg12 : memref<9680xf32, #tpu.memory_space<vmem>>) target_semaphore(%arg16 : memref<!tpu.dma_semaphore, #tpu.memory_space<semaphore_mem>>)
    %parallel_loop3A_165 = arith.constant 0 : i32
    %parallel_loop3A_166 = arith.constant 605 : i32
    %parallel_loop3A_167 = arith.constant 1 : i32
    scf.for %parallel_loop3A_307 = %parallel_loop3A_165 to %parallel_loop3A_166 step %parallel_loop3A_167  : i32 {
      %parallel_loop3A_308 = vector.broadcast %parallel_loop3A_307 : i32 to vector<16xi32>
      %parallel_loop3A_309 = arith.addi %mul3A_26, %parallel_loop3A_308 : vector<16xi32>
      %parallel_loop3A_310 = tpu.vector_load_idx %arg9[%parallel_loop3A_309] : memref<9680xi32, #tpu.memory_space<vmem>>[vector<16xi32>], vector<16xi32>,
      %parallel_loop3A_311 = tpu.vector_load_idx %arg11[%parallel_loop3A_309] : memref<9680xf32, #tpu.memory_space<vmem>>[vector<16xi32>], vector<16xf32>,
      tpu.vector_store_idx %arg13[%parallel_loop3A_310], %parallel_loop3A_311 {add = true} : memref<10000xf32, #tpu.memory_space<vmem>>[vector<16xi32>], vector<16xf32>,
    } {sc.loop_unroll_factor = 8 : i64, sc.parallel_access}
    %dma_wait3A_168 = tpu.memref_slice %arg2[%multiple_of3A_153] : memref<3200000xi32, #tpu.memory_space<hbm>> -> memref<320xi32, #tpu.memory_space<hbm>>
    %dma_wait3A_169 = tpu.memref_slice %arg2[%multiple_of3A_153] : memref<3200000xi32, #tpu.memory_space<hbm>> -> memref<320xi32, #tpu.memory_space<hbm>>
    tpu.wait_dma2 semaphore(%arg18 : memref<!tpu.dma_semaphore, #tpu.memory_space<semaphore_mem>>) src(%dma_wait3A_169 : memref<320xi32, #tpu.memory_space<hbm>>) dst(%arg6 : memref<320xi32, #tpu.memory_space<vmem>>)
    %dma_wait3A_170 = tpu.memref_slice %arg3[%multiple_of3A_153] : memref<3200000xf32, #tpu.memory_space<hbm>> -> memref<320xf32, #tpu.memory_space<hbm>>
    %dma_wait3A_171 = tpu.memref_slice %arg3[%multiple_of3A_153] : memref<3200000xf32, #tpu.memory_space<hbm>> -> memref<320xf32, #tpu.memory_space<hbm>>
    tpu.wait_dma2 semaphore(%arg16 : memref<!tpu.dma_semaphore, #tpu.memory_space<semaphore_mem>>) src(%dma_wait3A_171 : memref<320xf32, #tpu.memory_space<hbm>>) dst(%arg8 : memref<320xf32, #tpu.memory_space<vmem>>)
    %dma_wait3A_172 = tpu.memref_slice %arg2[%multiple_of3A_156] : memref<3200000xi32, #tpu.memory_space<hbm>> -> memref<9680xi32, #tpu.memory_space<hbm>>
    %dma_wait3A_173 = tpu.memref_slice %arg2[%multiple_of3A_156] : memref<3200000xi32, #tpu.memory_space<hbm>> -> memref<9680xi32, #tpu.memory_space<hbm>>
    tpu.wait_dma2 semaphore(%arg16 : memref<!tpu.dma_semaphore, #tpu.memory_space<semaphore_mem>>) src(%dma_wait3A_173 : memref<9680xi32, #tpu.memory_space<hbm>>) dst(%arg10 : memref<9680xi32, #tpu.memory_space<vmem>>)
    %dma_wait3A_174 = tpu.memref_slice %arg3[%multiple_of3A_156] : memref<3200000xf32, #tpu.memory_space<hbm>> -> memref<9680xf32, #tpu.memory_space<hbm>>
    %dma_wait3A_175 = tpu.memref_slice %arg3[%multiple_of3A_156] : memref<3200000xf32, #tpu.memory_space<hbm>> -> memref<9680xf32, #tpu.memory_space<hbm>>
    tpu.wait_dma2 semaphore(%arg16 : memref<!tpu.dma_semaphore, #tpu.memory_space<semaphore_mem>>) src(%dma_wait3A_175 : memref<9680xf32, #tpu.memory_space<hbm>>) dst(%arg12 : memref<9680xf32, #tpu.memory_space<vmem>>)
    %dma_start3A_176 = arith.constant 0 : i32
    %dma_start3A_177 = tpu.memref_slice %arg14[%dma_start3A_176] : memref<10000xf32, #tpu.memory_space<vmem_shared>> -> memref<10000xf32, #tpu.memory_space<vmem_shared>>
    tpu.enqueue_indirect_dma source(%arg8 : memref<320xf32, #tpu.memory_space<vmem>>) target(%dma_start3A_177 : memref<10000xf32, #tpu.memory_space<vmem_shared>>) offsets(%arg6 : memref<320xi32, #tpu.memory_space<vmem>>) semaphore(%arg20 : memref<!tpu.dma_semaphore, #tpu.memory_space<semaphore_mem>>) {add = true}
    %dma_wait3A_178 = arith.constant 0 : i32
    %dma_wait3A_179 = tpu.memref_slice %arg14[%dma_wait3A_178] : memref<10000xf32, #tpu.memory_space<vmem_shared>> -> memref<10000xf32, #tpu.memory_space<vmem_shared>>
    tpu.wait_indirect_dma semaphore(%arg19 : memref<!tpu.dma_semaphore, #tpu.memory_space<semaphore_mem>>) src(%arg7 : memref<320xf32, #tpu.memory_space<vmem>>) dst(%dma_wait3A_179 : memref<10000xf32, #tpu.memory_space<vmem_shared>>)
    %add3A_180 = arith.constant 60000 : i32
    %add3A_181 = arith.addi %multiple_of3A, %add3A_180 : i32
    %multiple_of3A_182 = tpu.assume_multiple %add3A_181, 8 : i32
    %add3A_183 = arith.constant 320 : i32
    %add3A_184 = arith.addi %multiple_of3A_182, %add3A_183 : i32
    %multiple_of3A_185 = tpu.assume_multiple %add3A_184, 8 : i32
    %dma_start3A_186 = tpu.memref_slice %arg2[%multiple_of3A_182] : memref<3200000xi32, #tpu.memory_space<hbm>> -> memref<320xi32, #tpu.memory_space<hbm>>
    %dma_start3A_187 = tpu.memref_slice %arg2[%multiple_of3A_182] : memref<3200000xi32, #tpu.memory_space<hbm>> -> memref<320xi32, #tpu.memory_space<hbm>>
    tpu.enqueue_dma source(%dma_start3A_187 : memref<320xi32, #tpu.memory_space<hbm>>) target(%arg5 : memref<320xi32, #tpu.memory_space<vmem>>) target_semaphore(%arg17 : memref<!tpu.dma_semaphore, #tpu.memory_space<semaphore_mem>>)
    %dma_start3A_188 = tpu.memref_slice %arg3[%multiple_of3A_182] : memref<3200000xf32, #tpu.memory_space<hbm>> -> memref<320xf32, #tpu.memory_space<hbm>>
    %dma_start3A_189 = tpu.memref_slice %arg3[%multiple_of3A_182] : memref<3200000xf32, #tpu.memory_space<hbm>> -> memref<320xf32, #tpu.memory_space<hbm>>
    tpu.enqueue_dma source(%dma_start3A_189 : memref<320xf32, #tpu.memory_space<hbm>>) target(%arg7 : memref<320xf32, #tpu.memory_space<vmem>>) target_semaphore(%arg15 : memref<!tpu.dma_semaphore, #tpu.memory_space<semaphore_mem>>)
    %dma_start3A_190 = tpu.memref_slice %arg2[%multiple_of3A_185] : memref<3200000xi32, #tpu.memory_space<hbm>> -> memref<9680xi32, #tpu.memory_space<hbm>>
    %dma_start3A_191 = tpu.memref_slice %arg2[%multiple_of3A_185] : memref<3200000xi32, #tpu.memory_space<hbm>> -> memref<9680xi32, #tpu.memory_space<hbm>>
    tpu.enqueue_dma source(%dma_start3A_191 : memref<9680xi32, #tpu.memory_space<hbm>>) target(%arg9 : memref<9680xi32, #tpu.memory_space<vmem>>) target_semaphore(%arg15 : memref<!tpu.dma_semaphore, #tpu.memory_space<semaphore_mem>>)
    %dma_start3A_192 = tpu.memref_slice %arg3[%multiple_of3A_185] : memref<3200000xf32, #tpu.memory_space<hbm>> -> memref<9680xf32, #tpu.memory_space<hbm>>
    %dma_start3A_193 = tpu.memref_slice %arg3[%multiple_of3A_185] : memref<3200000xf32, #tpu.memory_space<hbm>> -> memref<9680xf32, #tpu.memory_space<hbm>>
    tpu.enqueue_dma source(%dma_start3A_193 : memref<9680xf32, #tpu.memory_space<hbm>>) target(%arg11 : memref<9680xf32, #tpu.memory_space<vmem>>) target_semaphore(%arg15 : memref<!tpu.dma_semaphore, #tpu.memory_space<semaphore_mem>>)
    %parallel_loop3A_194 = arith.constant 0 : i32
    %parallel_loop3A_195 = arith.constant 605 : i32
    %parallel_loop3A_196 = arith.constant 1 : i32
    scf.for %parallel_loop3A_307 = %parallel_loop3A_194 to %parallel_loop3A_195 step %parallel_loop3A_196  : i32 {
      %parallel_loop3A_308 = vector.broadcast %parallel_loop3A_307 : i32 to vector<16xi32>
      %parallel_loop3A_309 = arith.addi %mul3A_26, %parallel_loop3A_308 : vector<16xi32>
      %parallel_loop3A_310 = tpu.vector_load_idx %arg10[%parallel_loop3A_309] : memref<9680xi32, #tpu.memory_space<vmem>>[vector<16xi32>], vector<16xi32>,
      %parallel_loop3A_311 = tpu.vector_load_idx %arg12[%parallel_loop3A_309] : memref<9680xf32, #tpu.memory_space<vmem>>[vector<16xi32>], vector<16xf32>,
      tpu.vector_store_idx %arg13[%parallel_loop3A_310], %parallel_loop3A_311 {add = true} : memref<10000xf32, #tpu.memory_space<vmem>>[vector<16xi32>], vector<16xf32>,
    } {sc.loop_unroll_factor = 8 : i64, sc.parallel_access}
    %dma_wait3A_197 = tpu.memref_slice %arg2[%multiple_of3A_182] : memref<3200000xi32, #tpu.memory_space<hbm>> -> memref<320xi32, #tpu.memory_space<hbm>>
    %dma_wait3A_198 = tpu.memref_slice %arg2[%multiple_of3A_182] : memref<3200000xi32, #tpu.memory_space<hbm>> -> memref<320xi32, #tpu.memory_space<hbm>>
    tpu.wait_dma2 semaphore(%arg17 : memref<!tpu.dma_semaphore, #tpu.memory_space<semaphore_mem>>) src(%dma_wait3A_198 : memref<320xi32, #tpu.memory_space<hbm>>) dst(%arg5 : memref<320xi32, #tpu.memory_space<vmem>>)
    %dma_wait3A_199 = tpu.memref_slice %arg3[%multiple_of3A_182] : memref<3200000xf32, #tpu.memory_space<hbm>> -> memref<320xf32, #tpu.memory_space<hbm>>
    %dma_wait3A_200 = tpu.memref_slice %arg3[%multiple_of3A_182] : memref<3200000xf32, #tpu.memory_space<hbm>> -> memref<320xf32, #tpu.memory_space<hbm>>
    tpu.wait_dma2 semaphore(%arg15 : memref<!tpu.dma_semaphore, #tpu.memory_space<semaphore_mem>>) src(%dma_wait3A_200 : memref<320xf32, #tpu.memory_space<hbm>>) dst(%arg7 : memref<320xf32, #tpu.memory_space<vmem>>)
    %dma_wait3A_201 = tpu.memref_slice %arg2[%multiple_of3A_185] : memref<3200000xi32, #tpu.memory_space<hbm>> -> memref<9680xi32, #tpu.memory_space<hbm>>
    %dma_wait3A_202 = tpu.memref_slice %arg2[%multiple_of3A_185] : memref<3200000xi32, #tpu.memory_space<hbm>> -> memref<9680xi32, #tpu.memory_space<hbm>>
    tpu.wait_dma2 semaphore(%arg15 : memref<!tpu.dma_semaphore, #tpu.memory_space<semaphore_mem>>) src(%dma_wait3A_202 : memref<9680xi32, #tpu.memory_space<hbm>>) dst(%arg9 : memref<9680xi32, #tpu.memory_space<vmem>>)
    %dma_wait3A_203 = tpu.memref_slice %arg3[%multiple_of3A_185] : memref<3200000xf32, #tpu.memory_space<hbm>> -> memref<9680xf32, #tpu.memory_space<hbm>>
    %dma_wait3A_204 = tpu.memref_slice %arg3[%multiple_of3A_185] : memref<3200000xf32, #tpu.memory_space<hbm>> -> memref<9680xf32, #tpu.memory_space<hbm>>
    tpu.wait_dma2 semaphore(%arg15 : memref<!tpu.dma_semaphore, #tpu.memory_space<semaphore_mem>>) src(%dma_wait3A_204 : memref<9680xf32, #tpu.memory_space<hbm>>) dst(%arg11 : memref<9680xf32, #tpu.memory_space<vmem>>)
    %dma_start3A_205 = arith.constant 0 : i32
    %dma_start3A_206 = tpu.memref_slice %arg14[%dma_start3A_205] : memref<10000xf32, #tpu.memory_space<vmem_shared>> -> memref<10000xf32, #tpu.memory_space<vmem_shared>>
    tpu.enqueue_indirect_dma source(%arg7 : memref<320xf32, #tpu.memory_space<vmem>>) target(%dma_start3A_206 : memref<10000xf32, #tpu.memory_space<vmem_shared>>) offsets(%arg5 : memref<320xi32, #tpu.memory_space<vmem>>) semaphore(%arg19 : memref<!tpu.dma_semaphore, #tpu.memory_space<semaphore_mem>>) {add = true}
    %dma_wait3A_207 = arith.constant 0 : i32
    %dma_wait3A_208 = tpu.memref_slice %arg14[%dma_wait3A_207] : memref<10000xf32, #tpu.memory_space<vmem_shared>> -> memref<10000xf32, #tpu.memory_space<vmem_shared>>
    tpu.wait_indirect_dma semaphore(%arg20 : memref<!tpu.dma_semaphore, #tpu.memory_space<semaphore_mem>>) src(%arg8 : memref<320xf32, #tpu.memory_space<vmem>>) dst(%dma_wait3A_208 : memref<10000xf32, #tpu.memory_space<vmem_shared>>)
    %add3A_209 = arith.constant 70000 : i32
    %add3A_210 = arith.addi %multiple_of3A, %add3A_209 : i32
    %multiple_of3A_211 = tpu.assume_multiple %add3A_210, 8 : i32
    %add3A_212 = arith.constant 320 : i32
    %add3A_213 = arith.addi %multiple_of3A_211, %add3A_212 : i32
    %multiple_of3A_214 = tpu.assume_multiple %add3A_213, 8 : i32
    %dma_start3A_215 = tpu.memref_slice %arg2[%multiple_of3A_211] : memref<3200000xi32, #tpu.memory_space<hbm>> -> memref<320xi32, #tpu.memory_space<hbm>>
    %dma_start3A_216 = tpu.memref_slice %arg2[%multiple_of3A_211] : memref<3200000xi32, #tpu.memory_space<hbm>> -> memref<320xi32, #tpu.memory_space<hbm>>
    tpu.enqueue_dma source(%dma_start3A_216 : memref<320xi32, #tpu.memory_space<hbm>>) target(%arg6 : memref<320xi32, #tpu.memory_space<vmem>>) target_semaphore(%arg18 : memref<!tpu.dma_semaphore, #tpu.memory_space<semaphore_mem>>)
    %dma_start3A_217 = tpu.memref_slice %arg3[%multiple_of3A_211] : memref<3200000xf32, #tpu.memory_space<hbm>> -> memref<320xf32, #tpu.memory_space<hbm>>
    %dma_start3A_218 = tpu.memref_slice %arg3[%multiple_of3A_211] : memref<3200000xf32, #tpu.memory_space<hbm>> -> memref<320xf32, #tpu.memory_space<hbm>>
    tpu.enqueue_dma source(%dma_start3A_218 : memref<320xf32, #tpu.memory_space<hbm>>) target(%arg8 : memref<320xf32, #tpu.memory_space<vmem>>) target_semaphore(%arg16 : memref<!tpu.dma_semaphore, #tpu.memory_space<semaphore_mem>>)
    %dma_start3A_219 = tpu.memref_slice %arg2[%multiple_of3A_214] : memref<3200000xi32, #tpu.memory_space<hbm>> -> memref<9680xi32, #tpu.memory_space<hbm>>
    %dma_start3A_220 = tpu.memref_slice %arg2[%multiple_of3A_214] : memref<3200000xi32, #tpu.memory_space<hbm>> -> memref<9680xi32, #tpu.memory_space<hbm>>
    tpu.enqueue_dma source(%dma_start3A_220 : memref<9680xi32, #tpu.memory_space<hbm>>) target(%arg10 : memref<9680xi32, #tpu.memory_space<vmem>>) target_semaphore(%arg16 : memref<!tpu.dma_semaphore, #tpu.memory_space<semaphore_mem>>)
    %dma_start3A_221 = tpu.memref_slice %arg3[%multiple_of3A_214] : memref<3200000xf32, #tpu.memory_space<hbm>> -> memref<9680xf32, #tpu.memory_space<hbm>>
    %dma_start3A_222 = tpu.memref_slice %arg3[%multiple_of3A_214] : memref<3200000xf32, #tpu.memory_space<hbm>> -> memref<9680xf32, #tpu.memory_space<hbm>>
    tpu.enqueue_dma source(%dma_start3A_222 : memref<9680xf32, #tpu.memory_space<hbm>>) target(%arg12 : memref<9680xf32, #tpu.memory_space<vmem>>) target_semaphore(%arg16 : memref<!tpu.dma_semaphore, #tpu.memory_space<semaphore_mem>>)
    %parallel_loop3A_223 = arith.constant 0 : i32
    %parallel_loop3A_224 = arith.constant 605 : i32
    %parallel_loop3A_225 = arith.constant 1 : i32
    scf.for %parallel_loop3A_307 = %parallel_loop3A_223 to %parallel_loop3A_224 step %parallel_loop3A_225  : i32 {
      %parallel_loop3A_308 = vector.broadcast %parallel_loop3A_307 : i32 to vector<16xi32>
      %parallel_loop3A_309 = arith.addi %mul3A_26, %parallel_loop3A_308 : vector<16xi32>
      %parallel_loop3A_310 = tpu.vector_load_idx %arg9[%parallel_loop3A_309] : memref<9680xi32, #tpu.memory_space<vmem>>[vector<16xi32>], vector<16xi32>,
      %parallel_loop3A_311 = tpu.vector_load_idx %arg11[%parallel_loop3A_309] : memref<9680xf32, #tpu.memory_space<vmem>>[vector<16xi32>], vector<16xf32>,
      tpu.vector_store_idx %arg13[%parallel_loop3A_310], %parallel_loop3A_311 {add = true} : memref<10000xf32, #tpu.memory_space<vmem>>[vector<16xi32>], vector<16xf32>,
    } {sc.loop_unroll_factor = 8 : i64, sc.parallel_access}
    %dma_wait3A_226 = tpu.memref_slice %arg2[%multiple_of3A_211] : memref<3200000xi32, #tpu.memory_space<hbm>> -> memref<320xi32, #tpu.memory_space<hbm>>
    %dma_wait3A_227 = tpu.memref_slice %arg2[%multiple_of3A_211] : memref<3200000xi32, #tpu.memory_space<hbm>> -> memref<320xi32, #tpu.memory_space<hbm>>
    tpu.wait_dma2 semaphore(%arg18 : memref<!tpu.dma_semaphore, #tpu.memory_space<semaphore_mem>>) src(%dma_wait3A_227 : memref<320xi32, #tpu.memory_space<hbm>>) dst(%arg6 : memref<320xi32, #tpu.memory_space<vmem>>)
    %dma_wait3A_228 = tpu.memref_slice %arg3[%multiple_of3A_211] : memref<3200000xf32, #tpu.memory_space<hbm>> -> memref<320xf32, #tpu.memory_space<hbm>>
    %dma_wait3A_229 = tpu.memref_slice %arg3[%multiple_of3A_211] : memref<3200000xf32, #tpu.memory_space<hbm>> -> memref<320xf32, #tpu.memory_space<hbm>>
    tpu.wait_dma2 semaphore(%arg16 : memref<!tpu.dma_semaphore, #tpu.memory_space<semaphore_mem>>) src(%dma_wait3A_229 : memref<320xf32, #tpu.memory_space<hbm>>) dst(%arg8 : memref<320xf32, #tpu.memory_space<vmem>>)
    %dma_wait3A_230 = tpu.memref_slice %arg2[%multiple_of3A_214] : memref<3200000xi32, #tpu.memory_space<hbm>> -> memref<9680xi32, #tpu.memory_space<hbm>>
    %dma_wait3A_231 = tpu.memref_slice %arg2[%multiple_of3A_214] : memref<3200000xi32, #tpu.memory_space<hbm>> -> memref<9680xi32, #tpu.memory_space<hbm>>
    tpu.wait_dma2 semaphore(%arg16 : memref<!tpu.dma_semaphore, #tpu.memory_space<semaphore_mem>>) src(%dma_wait3A_231 : memref<9680xi32, #tpu.memory_space<hbm>>) dst(%arg10 : memref<9680xi32, #tpu.memory_space<vmem>>)
    %dma_wait3A_232 = tpu.memref_slice %arg3[%multiple_of3A_214] : memref<3200000xf32, #tpu.memory_space<hbm>> -> memref<9680xf32, #tpu.memory_space<hbm>>
    %dma_wait3A_233 = tpu.memref_slice %arg3[%multiple_of3A_214] : memref<3200000xf32, #tpu.memory_space<hbm>> -> memref<9680xf32, #tpu.memory_space<hbm>>
    tpu.wait_dma2 semaphore(%arg16 : memref<!tpu.dma_semaphore, #tpu.memory_space<semaphore_mem>>) src(%dma_wait3A_233 : memref<9680xf32, #tpu.memory_space<hbm>>) dst(%arg12 : memref<9680xf32, #tpu.memory_space<vmem>>)
    %dma_start3A_234 = arith.constant 0 : i32
    %dma_start3A_235 = tpu.memref_slice %arg14[%dma_start3A_234] : memref<10000xf32, #tpu.memory_space<vmem_shared>> -> memref<10000xf32, #tpu.memory_space<vmem_shared>>
    tpu.enqueue_indirect_dma source(%arg8 : memref<320xf32, #tpu.memory_space<vmem>>) target(%dma_start3A_235 : memref<10000xf32, #tpu.memory_space<vmem_shared>>) offsets(%arg6 : memref<320xi32, #tpu.memory_space<vmem>>) semaphore(%arg20 : memref<!tpu.dma_semaphore, #tpu.memory_space<semaphore_mem>>) {add = true}
    %dma_wait3A_236 = arith.constant 0 : i32
    %dma_wait3A_237 = tpu.memref_slice %arg14[%dma_wait3A_236] : memref<10000xf32, #tpu.memory_space<vmem_shared>> -> memref<10000xf32, #tpu.memory_space<vmem_shared>>
    tpu.wait_indirect_dma semaphore(%arg19 : memref<!tpu.dma_semaphore, #tpu.memory_space<semaphore_mem>>) src(%arg7 : memref<320xf32, #tpu.memory_space<vmem>>) dst(%dma_wait3A_237 : memref<10000xf32, #tpu.memory_space<vmem_shared>>)
    %add3A_238 = arith.constant 80000 : i32
    %add3A_239 = arith.addi %multiple_of3A, %add3A_238 : i32
    %multiple_of3A_240 = tpu.assume_multiple %add3A_239, 8 : i32
    %add3A_241 = arith.constant 320 : i32
    %add3A_242 = arith.addi %multiple_of3A_240, %add3A_241 : i32
    %multiple_of3A_243 = tpu.assume_multiple %add3A_242, 8 : i32
    %dma_start3A_244 = tpu.memref_slice %arg2[%multiple_of3A_240] : memref<3200000xi32, #tpu.memory_space<hbm>> -> memref<320xi32, #tpu.memory_space<hbm>>
    %dma_start3A_245 = tpu.memref_slice %arg2[%multiple_of3A_240] : memref<3200000xi32, #tpu.memory_space<hbm>> -> memref<320xi32, #tpu.memory_space<hbm>>
    tpu.enqueue_dma source(%dma_start3A_245 : memref<320xi32, #tpu.memory_space<hbm>>) target(%arg5 : memref<320xi32, #tpu.memory_space<vmem>>) target_semaphore(%arg17 : memref<!tpu.dma_semaphore, #tpu.memory_space<semaphore_mem>>)
    %dma_start3A_246 = tpu.memref_slice %arg3[%multiple_of3A_240] : memref<3200000xf32, #tpu.memory_space<hbm>> -> memref<320xf32, #tpu.memory_space<hbm>>
    %dma_start3A_247 = tpu.memref_slice %arg3[%multiple_of3A_240] : memref<3200000xf32, #tpu.memory_space<hbm>> -> memref<320xf32, #tpu.memory_space<hbm>>
    tpu.enqueue_dma source(%dma_start3A_247 : memref<320xf32, #tpu.memory_space<hbm>>) target(%arg7 : memref<320xf32, #tpu.memory_space<vmem>>) target_semaphore(%arg15 : memref<!tpu.dma_semaphore, #tpu.memory_space<semaphore_mem>>)
    %dma_start3A_248 = tpu.memref_slice %arg2[%multiple_of3A_243] : memref<3200000xi32, #tpu.memory_space<hbm>> -> memref<9680xi32, #tpu.memory_space<hbm>>
    %dma_start3A_249 = tpu.memref_slice %arg2[%multiple_of3A_243] : memref<3200000xi32, #tpu.memory_space<hbm>> -> memref<9680xi32, #tpu.memory_space<hbm>>
    tpu.enqueue_dma source(%dma_start3A_249 : memref<9680xi32, #tpu.memory_space<hbm>>) target(%arg9 : memref<9680xi32, #tpu.memory_space<vmem>>) target_semaphore(%arg15 : memref<!tpu.dma_semaphore, #tpu.memory_space<semaphore_mem>>)
    %dma_start3A_250 = tpu.memref_slice %arg3[%multiple_of3A_243] : memref<3200000xf32, #tpu.memory_space<hbm>> -> memref<9680xf32, #tpu.memory_space<hbm>>
    %dma_start3A_251 = tpu.memref_slice %arg3[%multiple_of3A_243] : memref<3200000xf32, #tpu.memory_space<hbm>> -> memref<9680xf32, #tpu.memory_space<hbm>>
    tpu.enqueue_dma source(%dma_start3A_251 : memref<9680xf32, #tpu.memory_space<hbm>>) target(%arg11 : memref<9680xf32, #tpu.memory_space<vmem>>) target_semaphore(%arg15 : memref<!tpu.dma_semaphore, #tpu.memory_space<semaphore_mem>>)
    %parallel_loop3A_252 = arith.constant 0 : i32
    %parallel_loop3A_253 = arith.constant 605 : i32
    %parallel_loop3A_254 = arith.constant 1 : i32
    scf.for %parallel_loop3A_307 = %parallel_loop3A_252 to %parallel_loop3A_253 step %parallel_loop3A_254  : i32 {
      %parallel_loop3A_308 = vector.broadcast %parallel_loop3A_307 : i32 to vector<16xi32>
      %parallel_loop3A_309 = arith.addi %mul3A_26, %parallel_loop3A_308 : vector<16xi32>
      %parallel_loop3A_310 = tpu.vector_load_idx %arg10[%parallel_loop3A_309] : memref<9680xi32, #tpu.memory_space<vmem>>[vector<16xi32>], vector<16xi32>,
      %parallel_loop3A_311 = tpu.vector_load_idx %arg12[%parallel_loop3A_309] : memref<9680xf32, #tpu.memory_space<vmem>>[vector<16xi32>], vector<16xf32>,
      tpu.vector_store_idx %arg13[%parallel_loop3A_310], %parallel_loop3A_311 {add = true} : memref<10000xf32, #tpu.memory_space<vmem>>[vector<16xi32>], vector<16xf32>,
    } {sc.loop_unroll_factor = 8 : i64, sc.parallel_access}
    %dma_wait3A_255 = tpu.memref_slice %arg2[%multiple_of3A_240] : memref<3200000xi32, #tpu.memory_space<hbm>> -> memref<320xi32, #tpu.memory_space<hbm>>
    %dma_wait3A_256 = tpu.memref_slice %arg2[%multiple_of3A_240] : memref<3200000xi32, #tpu.memory_space<hbm>> -> memref<320xi32, #tpu.memory_space<hbm>>
    tpu.wait_dma2 semaphore(%arg17 : memref<!tpu.dma_semaphore, #tpu.memory_space<semaphore_mem>>) src(%dma_wait3A_256 : memref<320xi32, #tpu.memory_space<hbm>>) dst(%arg5 : memref<320xi32, #tpu.memory_space<vmem>>)
    %dma_wait3A_257 = tpu.memref_slice %arg3[%multiple_of3A_240] : memref<3200000xf32, #tpu.memory_space<hbm>> -> memref<320xf32, #tpu.memory_space<hbm>>
    %dma_wait3A_258 = tpu.memref_slice %arg3[%multiple_of3A_240] : memref<3200000xf32, #tpu.memory_space<hbm>> -> memref<320xf32, #tpu.memory_space<hbm>>
    tpu.wait_dma2 semaphore(%arg15 : memref<!tpu.dma_semaphore, #tpu.memory_space<semaphore_mem>>) src(%dma_wait3A_258 : memref<320xf32, #tpu.memory_space<hbm>>) dst(%arg7 : memref<320xf32, #tpu.memory_space<vmem>>)
    %dma_wait3A_259 = tpu.memref_slice %arg2[%multiple_of3A_243] : memref<3200000xi32, #tpu.memory_space<hbm>> -> memref<9680xi32, #tpu.memory_space<hbm>>
    %dma_wait3A_260 = tpu.memref_slice %arg2[%multiple_of3A_243] : memref<3200000xi32, #tpu.memory_space<hbm>> -> memref<9680xi32, #tpu.memory_space<hbm>>
    tpu.wait_dma2 semaphore(%arg15 : memref<!tpu.dma_semaphore, #tpu.memory_space<semaphore_mem>>) src(%dma_wait3A_260 : memref<9680xi32, #tpu.memory_space<hbm>>) dst(%arg9 : memref<9680xi32, #tpu.memory_space<vmem>>)
    %dma_wait3A_261 = tpu.memref_slice %arg3[%multiple_of3A_243] : memref<3200000xf32, #tpu.memory_space<hbm>> -> memref<9680xf32, #tpu.memory_space<hbm>>
    %dma_wait3A_262 = tpu.memref_slice %arg3[%multiple_of3A_243] : memref<3200000xf32, #tpu.memory_space<hbm>> -> memref<9680xf32, #tpu.memory_space<hbm>>
    tpu.wait_dma2 semaphore(%arg15 : memref<!tpu.dma_semaphore, #tpu.memory_space<semaphore_mem>>) src(%dma_wait3A_262 : memref<9680xf32, #tpu.memory_space<hbm>>) dst(%arg11 : memref<9680xf32, #tpu.memory_space<vmem>>)
    %dma_start3A_263 = arith.constant 0 : i32
    %dma_start3A_264 = tpu.memref_slice %arg14[%dma_start3A_263] : memref<10000xf32, #tpu.memory_space<vmem_shared>> -> memref<10000xf32, #tpu.memory_space<vmem_shared>>
    tpu.enqueue_indirect_dma source(%arg7 : memref<320xf32, #tpu.memory_space<vmem>>) target(%dma_start3A_264 : memref<10000xf32, #tpu.memory_space<vmem_shared>>) offsets(%arg5 : memref<320xi32, #tpu.memory_space<vmem>>) semaphore(%arg19 : memref<!tpu.dma_semaphore, #tpu.memory_space<semaphore_mem>>) {add = true}
    %dma_wait3A_265 = arith.constant 0 : i32
    %dma_wait3A_266 = tpu.memref_slice %arg14[%dma_wait3A_265] : memref<10000xf32, #tpu.memory_space<vmem_shared>> -> memref<10000xf32, #tpu.memory_space<vmem_shared>>
    tpu.wait_indirect_dma semaphore(%arg20 : memref<!tpu.dma_semaphore, #tpu.memory_space<semaphore_mem>>) src(%arg8 : memref<320xf32, #tpu.memory_space<vmem>>) dst(%dma_wait3A_266 : memref<10000xf32, #tpu.memory_space<vmem_shared>>)
    %add3A_267 = arith.constant 90000 : i32
    %add3A_268 = arith.addi %multiple_of3A, %add3A_267 : i32
    %multiple_of3A_269 = tpu.assume_multiple %add3A_268, 8 : i32
    %add3A_270 = arith.constant 320 : i32
    %add3A_271 = arith.addi %multiple_of3A_269, %add3A_270 : i32
    %multiple_of3A_272 = tpu.assume_multiple %add3A_271, 8 : i32
    %dma_start3A_273 = tpu.memref_slice %arg2[%multiple_of3A_269] : memref<3200000xi32, #tpu.memory_space<hbm>> -> memref<320xi32, #tpu.memory_space<hbm>>
    %dma_start3A_274 = tpu.memref_slice %arg2[%multiple_of3A_269] : memref<3200000xi32, #tpu.memory_space<hbm>> -> memref<320xi32, #tpu.memory_space<hbm>>
    tpu.enqueue_dma source(%dma_start3A_274 : memref<320xi32, #tpu.memory_space<hbm>>) target(%arg6 : memref<320xi32, #tpu.memory_space<vmem>>) target_semaphore(%arg18 : memref<!tpu.dma_semaphore, #tpu.memory_space<semaphore_mem>>)
    %dma_start3A_275 = tpu.memref_slice %arg3[%multiple_of3A_269] : memref<3200000xf32, #tpu.memory_space<hbm>> -> memref<320xf32, #tpu.memory_space<hbm>>
    %dma_start3A_276 = tpu.memref_slice %arg3[%multiple_of3A_269] : memref<3200000xf32, #tpu.memory_space<hbm>> -> memref<320xf32, #tpu.memory_space<hbm>>
    tpu.enqueue_dma source(%dma_start3A_276 : memref<320xf32, #tpu.memory_space<hbm>>) target(%arg8 : memref<320xf32, #tpu.memory_space<vmem>>) target_semaphore(%arg16 : memref<!tpu.dma_semaphore, #tpu.memory_space<semaphore_mem>>)
    %dma_start3A_277 = tpu.memref_slice %arg2[%multiple_of3A_272] : memref<3200000xi32, #tpu.memory_space<hbm>> -> memref<9680xi32, #tpu.memory_space<hbm>>
    %dma_start3A_278 = tpu.memref_slice %arg2[%multiple_of3A_272] : memref<3200000xi32, #tpu.memory_space<hbm>> -> memref<9680xi32, #tpu.memory_space<hbm>>
    tpu.enqueue_dma source(%dma_start3A_278 : memref<9680xi32, #tpu.memory_space<hbm>>) target(%arg10 : memref<9680xi32, #tpu.memory_space<vmem>>) target_semaphore(%arg16 : memref<!tpu.dma_semaphore, #tpu.memory_space<semaphore_mem>>)
    %dma_start3A_279 = tpu.memref_slice %arg3[%multiple_of3A_272] : memref<3200000xf32, #tpu.memory_space<hbm>> -> memref<9680xf32, #tpu.memory_space<hbm>>
    %dma_start3A_280 = tpu.memref_slice %arg3[%multiple_of3A_272] : memref<3200000xf32, #tpu.memory_space<hbm>> -> memref<9680xf32, #tpu.memory_space<hbm>>
    tpu.enqueue_dma source(%dma_start3A_280 : memref<9680xf32, #tpu.memory_space<hbm>>) target(%arg12 : memref<9680xf32, #tpu.memory_space<vmem>>) target_semaphore(%arg16 : memref<!tpu.dma_semaphore, #tpu.memory_space<semaphore_mem>>)
    %parallel_loop3A_281 = arith.constant 0 : i32
    %parallel_loop3A_282 = arith.constant 605 : i32
    %parallel_loop3A_283 = arith.constant 1 : i32
    scf.for %parallel_loop3A_307 = %parallel_loop3A_281 to %parallel_loop3A_282 step %parallel_loop3A_283  : i32 {
      %parallel_loop3A_308 = vector.broadcast %parallel_loop3A_307 : i32 to vector<16xi32>
      %parallel_loop3A_309 = arith.addi %mul3A_26, %parallel_loop3A_308 : vector<16xi32>
      %parallel_loop3A_310 = tpu.vector_load_idx %arg9[%parallel_loop3A_309] : memref<9680xi32, #tpu.memory_space<vmem>>[vector<16xi32>], vector<16xi32>,
      %parallel_loop3A_311 = tpu.vector_load_idx %arg11[%parallel_loop3A_309] : memref<9680xf32, #tpu.memory_space<vmem>>[vector<16xi32>], vector<16xf32>,
      tpu.vector_store_idx %arg13[%parallel_loop3A_310], %parallel_loop3A_311 {add = true} : memref<10000xf32, #tpu.memory_space<vmem>>[vector<16xi32>], vector<16xf32>,
    } {sc.loop_unroll_factor = 8 : i64, sc.parallel_access}
    %dma_wait3A_284 = tpu.memref_slice %arg2[%multiple_of3A_269] : memref<3200000xi32, #tpu.memory_space<hbm>> -> memref<320xi32, #tpu.memory_space<hbm>>
    %dma_wait3A_285 = tpu.memref_slice %arg2[%multiple_of3A_269] : memref<3200000xi32, #tpu.memory_space<hbm>> -> memref<320xi32, #tpu.memory_space<hbm>>
    tpu.wait_dma2 semaphore(%arg18 : memref<!tpu.dma_semaphore, #tpu.memory_space<semaphore_mem>>) src(%dma_wait3A_285 : memref<320xi32, #tpu.memory_space<hbm>>) dst(%arg6 : memref<320xi32, #tpu.memory_space<vmem>>)
    %dma_wait3A_286 = tpu.memref_slice %arg3[%multiple_of3A_269] : memref<3200000xf32, #tpu.memory_space<hbm>> -> memref<320xf32, #tpu.memory_space<hbm>>
    %dma_wait3A_287 = tpu.memref_slice %arg3[%multiple_of3A_269] : memref<3200000xf32, #tpu.memory_space<hbm>> -> memref<320xf32, #tpu.memory_space<hbm>>
    tpu.wait_dma2 semaphore(%arg16 : memref<!tpu.dma_semaphore, #tpu.memory_space<semaphore_mem>>) src(%dma_wait3A_287 : memref<320xf32, #tpu.memory_space<hbm>>) dst(%arg8 : memref<320xf32, #tpu.memory_space<vmem>>)
    %dma_wait3A_288 = tpu.memref_slice %arg2[%multiple_of3A_272] : memref<3200000xi32, #tpu.memory_space<hbm>> -> memref<9680xi32, #tpu.memory_space<hbm>>
    %dma_wait3A_289 = tpu.memref_slice %arg2[%multiple_of3A_272] : memref<3200000xi32, #tpu.memory_space<hbm>> -> memref<9680xi32, #tpu.memory_space<hbm>>
    tpu.wait_dma2 semaphore(%arg16 : memref<!tpu.dma_semaphore, #tpu.memory_space<semaphore_mem>>) src(%dma_wait3A_289 : memref<9680xi32, #tpu.memory_space<hbm>>) dst(%arg10 : memref<9680xi32, #tpu.memory_space<vmem>>)
    %dma_wait3A_290 = tpu.memref_slice %arg3[%multiple_of3A_272] : memref<3200000xf32, #tpu.memory_space<hbm>> -> memref<9680xf32, #tpu.memory_space<hbm>>
    %dma_wait3A_291 = tpu.memref_slice %arg3[%multiple_of3A_272] : memref<3200000xf32, #tpu.memory_space<hbm>> -> memref<9680xf32, #tpu.memory_space<hbm>>
    tpu.wait_dma2 semaphore(%arg16 : memref<!tpu.dma_semaphore, #tpu.memory_space<semaphore_mem>>) src(%dma_wait3A_291 : memref<9680xf32, #tpu.memory_space<hbm>>) dst(%arg12 : memref<9680xf32, #tpu.memory_space<vmem>>)
    %dma_start3A_292 = arith.constant 0 : i32
    %dma_start3A_293 = tpu.memref_slice %arg14[%dma_start3A_292] : memref<10000xf32, #tpu.memory_space<vmem_shared>> -> memref<10000xf32, #tpu.memory_space<vmem_shared>>
    tpu.enqueue_indirect_dma source(%arg8 : memref<320xf32, #tpu.memory_space<vmem>>) target(%dma_start3A_293 : memref<10000xf32, #tpu.memory_space<vmem_shared>>) offsets(%arg6 : memref<320xi32, #tpu.memory_space<vmem>>) semaphore(%arg20 : memref<!tpu.dma_semaphore, #tpu.memory_space<semaphore_mem>>) {add = true}
    %parallel_loop3A_294 = arith.constant 0 : i32
    %parallel_loop3A_295 = arith.constant 605 : i32
    %parallel_loop3A_296 = arith.constant 1 : i32
    scf.for %parallel_loop3A_307 = %parallel_loop3A_294 to %parallel_loop3A_295 step %parallel_loop3A_296  : i32 {
      %parallel_loop3A_308 = vector.broadcast %parallel_loop3A_307 : i32 to vector<16xi32>
      %parallel_loop3A_309 = arith.addi %mul3A_26, %parallel_loop3A_308 : vector<16xi32>
      %parallel_loop3A_310 = tpu.vector_load_idx %arg10[%parallel_loop3A_309] : memref<9680xi32, #tpu.memory_space<vmem>>[vector<16xi32>], vector<16xi32>,
      %parallel_loop3A_311 = tpu.vector_load_idx %arg12[%parallel_loop3A_309] : memref<9680xf32, #tpu.memory_space<vmem>>[vector<16xi32>], vector<16xf32>,
      tpu.vector_store_idx %arg13[%parallel_loop3A_310], %parallel_loop3A_311 {add = true} : memref<10000xf32, #tpu.memory_space<vmem>>[vector<16xi32>], vector<16xf32>,
    } {sc.loop_unroll_factor = 8 : i64, sc.parallel_access}
    %dma_wait3A_297 = arith.constant 0 : i32
    %dma_wait3A_298 = tpu.memref_slice %arg14[%dma_wait3A_297] : memref<10000xf32, #tpu.memory_space<vmem_shared>> -> memref<10000xf32, #tpu.memory_space<vmem_shared>>
    tpu.wait_indirect_dma semaphore(%arg19 : memref<!tpu.dma_semaphore, #tpu.memory_space<semaphore_mem>>) src(%arg7 : memref<320xf32, #tpu.memory_space<vmem>>) dst(%dma_wait3A_298 : memref<10000xf32, #tpu.memory_space<vmem_shared>>)
    %dma_wait3A_299 = arith.constant 0 : i32
    %dma_wait3A_300 = tpu.memref_slice %arg14[%dma_wait3A_299] : memref<10000xf32, #tpu.memory_space<vmem_shared>> -> memref<10000xf32, #tpu.memory_space<vmem_shared>>
    tpu.wait_indirect_dma semaphore(%arg20 : memref<!tpu.dma_semaphore, #tpu.memory_space<semaphore_mem>>) src(%arg8 : memref<320xf32, #tpu.memory_space<vmem>>) dst(%dma_wait3A_300 : memref<10000xf32, #tpu.memory_space<vmem_shared>>)
    "tpu.region"() ({
      %run_scoped3A = tpu.sem_alloc : memref<!tpu.dma_semaphore, #tpu.memory_space<semaphore_mem>>
      %dma_start3A_307 = arith.constant 0 : i32
      %dma_start3A_308 = tpu.memref_slice %arg4[%add3A, %dma_start3A_307] : memref<34x10000xf32, #tpu.memory_space<hbm>> -> memref<1x10000xf32, #tpu.memory_space<hbm>>
      %dma_start3A_309 = tpu.memref_squeeze %dma_start3A_308 : memref<1x10000xf32, #tpu.memory_space<hbm>> -> memref<10000xf32, #tpu.memory_space<hbm>>
      %dma_start3A_310 = arith.constant 0 : i32
      %dma_start3A_311 = tpu.memref_slice %arg4[%add3A, %dma_start3A_310] : memref<34x10000xf32, #tpu.memory_space<hbm>> -> memref<1x10000xf32, #tpu.memory_space<hbm>>
      %dma_start3A_312 = tpu.memref_squeeze %dma_start3A_311 : memref<1x10000xf32, #tpu.memory_space<hbm>> -> memref<10000xf32, #tpu.memory_space<hbm>>
      tpu.enqueue_dma source(%arg13 : memref<10000xf32, #tpu.memory_space<vmem>>) target(%dma_start3A_312 : memref<10000xf32, #tpu.memory_space<hbm>>) target_semaphore(%run_scoped3A : memref<!tpu.dma_semaphore, #tpu.memory_space<semaphore_mem>>)
      %dma_wait3A_313 = arith.constant 0 : i32
      %dma_wait3A_314 = tpu.memref_slice %arg4[%add3A, %dma_wait3A_313] : memref<34x10000xf32, #tpu.memory_space<hbm>> -> memref<1x10000xf32, #tpu.memory_space<hbm>>
      %dma_wait3A_315 = tpu.memref_squeeze %dma_wait3A_314 : memref<1x10000xf32, #tpu.memory_space<hbm>> -> memref<10000xf32, #tpu.memory_space<hbm>>
      %dma_wait3A_316 = arith.constant 0 : i32
      %dma_wait3A_317 = tpu.memref_slice %arg4[%add3A, %dma_wait3A_316] : memref<34x10000xf32, #tpu.memory_space<hbm>> -> memref<1x10000xf32, #tpu.memory_space<hbm>>
      %dma_wait3A_318 = tpu.memref_squeeze %dma_wait3A_317 : memref<1x10000xf32, #tpu.memory_space<hbm>> -> memref<10000xf32, #tpu.memory_space<hbm>>
      tpu.wait_dma2 semaphore(%run_scoped3A : memref<!tpu.dma_semaphore, #tpu.memory_space<semaphore_mem>>) src(%arg13 : memref<10000xf32, #tpu.memory_space<vmem>>) dst(%dma_wait3A_318 : memref<10000xf32, #tpu.memory_space<hbm>>)
      tpu.yield
    }) : () -> ()
    %barrier3A_301 = arith.constant 0 : index
    tpu.barrier barrier_id(%barrier3A_301)
    %eq3A_302 = arith.constant 0 : i32
    %eq3A_303 = arith.cmpi eq, %arg1, %eq3A_302 : i32
    %convert_element_type3A_304 = arith.extui %eq3A_303 : i1 to i32
    %cond3A_305 = arith.constant 0 : i32
    %cond3A_306 = arith.cmpi ne, %convert_element_type3A_304, %cond3A_305 : i32
    scf.if %cond3A_306 {
      %add3A_307 = arith.constant 32 : i32
      %add3A_308 = arith.addi %add3A_307, %arg0 : i32
      "tpu.region"() ({
        %run_scoped3A = tpu.sem_alloc : memref<!tpu.dma_semaphore, #tpu.memory_space<semaphore_mem>>
        %dma_start3A_309 = arith.constant 0 : i32
        %dma_start3A_310 = tpu.memref_slice %arg4[%add3A_308, %dma_start3A_309] : memref<34x10000xf32, #tpu.memory_space<hbm>> -> memref<1x10000xf32, #tpu.memory_space<hbm>>
        %dma_start3A_311 = tpu.memref_squeeze %dma_start3A_310 : memref<1x10000xf32, #tpu.memory_space<hbm>> -> memref<10000xf32, #tpu.memory_space<hbm>>
        tpu.enqueue_dma source(%arg14 : memref<10000xf32, #tpu.memory_space<vmem_shared>>) target(%dma_start3A_311 : memref<10000xf32, #tpu.memory_space<hbm>>) target_semaphore(%run_scoped3A : memref<!tpu.dma_semaphore, #tpu.memory_space<semaphore_mem>>)
        %dma_wait3A_312 = arith.constant 0 : i32
        %dma_wait3A_313 = tpu.memref_slice %arg4[%add3A_308, %dma_wait3A_312] : memref<34x10000xf32, #tpu.memory_space<hbm>> -> memref<1x10000xf32, #tpu.memory_space<hbm>>
        %dma_wait3A_314 = tpu.memref_squeeze %dma_wait3A_313 : memref<1x10000xf32, #tpu.memory_space<hbm>> -> memref<10000xf32, #tpu.memory_space<hbm>>
        tpu.wait_dma2 semaphore(%run_scoped3A : memref<!tpu.dma_semaphore, #tpu.memory_space<semaphore_mem>>) src(%arg14 : memref<10000xf32, #tpu.memory_space<vmem_shared>>) dst(%dma_wait3A_314 : memref<10000xf32, #tpu.memory_space<hbm>>)
        tpu.yield
      }) : () -> ()
    } else {
    }
    return
  }
}

module attributes {stable_mosaic.version = 14 : i64} {
  func.func @body(%arg0: memref<1x10000xf32, #tpu.memory_space<vmem>>, %arg1: memref<34x10000xf32, #tpu.memory_space<vmem>>, %arg2: memref<1x10000xf32, #tpu.memory_space<vmem>>) attributes {dimension_semantics = [], scalar_prefetch = 0 : i64, scratch_operands = 0 : i64, tpu.core_type = #tpu.core_type<tc>} {
    %get3A = arith.constant 0 : index
    %get3A_0 = arith.constant 0 : index
    %get3A_1 = vector.load %arg0[%get3A, %get3A_0] : memref<1x10000xf32, #tpu.memory_space<vmem>>, vector<1x10000xf32>
    %get3A_2 = arith.constant 0 : index
    %get3A_3 = arith.constant 0 : index
    %get3A_4 = vector.load %arg1[%get3A_2, %get3A_3] : memref<34x10000xf32, #tpu.memory_space<vmem>>, vector<34x10000xf32>
    %reduce_sum3A = arith.constant dense<0.000000e+00> : vector<10000xf32>
    %reduce_sum3A_5 = vector.multi_reduction <add>, %get3A_4, %reduce_sum3A [0] : vector<34x10000xf32> to vector<10000xf32>
    %broadcast_in_dim3A = vector.shape_cast %reduce_sum3A_5 : vector<10000xf32> to vector<1x10000xf32>
    %sub3A = arith.subf %get3A_1, %broadcast_in_dim3A : vector<1x10000xf32>
    %swap3A = arith.constant 0 : index
    %swap3A_6 = arith.constant 0 : index
    %swap3A_7 = vector.load %arg2[%swap3A, %swap3A_6] : memref<1x10000xf32, #tpu.memory_space<vmem>>, vector<1x10000xf32>
    tpu.vector_store %arg2[%swap3A, %swap3A_6], %sub3A {strides = array<i32>} : memref<1x10000xf32, #tpu.memory_space<vmem>>, vector<1x10000xf32>,
    return
  }
}

</mosaic_0001>

<sc_bundles>
// kernel: kernel.4.cloned.1.call-start
scs
__scs_entry_jumppad:
0x0: {  	(pc) =	sbr.rel $0x88, $3  }
0x1: {  	(tag) =	ssettag $0x0;
	lr =	simm.s32 $0x1  }
0x2: {  	[smem:$0x3F9E] =	sst lr;
	_ =	strace $0xD0000000  }
0x3: {  	_ = 	snop  }
0x4: {  	_ = 	snop  }
0x5: {  	_ = 	snop  }
0x6: {  	_ = 	snop  }
0x7: {  	_ = 	snop  }
__scs_overlays_trampoline_lowered:
0x8: {  	[smem:$0x3FAD] =	sst s0  }
0x9: {  	[smem:$0x3FAE] =	sst s1  }
0xa: {  	[smem:$0x3FAF] =	sst s2  }
0xb: {  	[smem:$0x3FB0] =	sst s3  }
0xc: {  	[smem:$0x3FB1] =	sst s4  }
0xd: {  	[smem:$0x3FB2] =	sst s5  }
0xe: {  	[smem:$0x3FB3] =	sst s6  }
0xf: {  	[smem:$0x3FB4] =	sst s7  }
0x10: {  	[smem:$0x3FB5] =	sst s8  }
0x11: {  	[smem:$0x3FB6] =	sst s9;
	s0 =	simm.s32 @!p0 $0x0  }
0x12: {  	s1 =	sld [smem:$0x3F9C];
	s0 =	simm.s32 @p0 $0x1  }
0x13: {  	[smem:$0x3FB7] =	sst s0;
	s0 =	simm.s32 @!p1 $0x0  }
0x14: {  	s2 =	sld [smem:$0x3F9B];
	s0 =	simm.s32 @p1 $0x1  }
0x15: {  	[smem:$0x3FB8] =	sst s0;
	s0 =	simm.s32 @!p2 $0x0  }
0x16: {  	s3 =	sld [smem:$0x3FDB];
	s0 =	simm.s32 @p2 $0x1  }
0x17: {  	s4 =	simm.s32 $0x1BF5;
	[smem:$0x3FBA] =	sst s0  }
0x18: {  	s0 =	sld [smem:$0x3F9D];
	_ =	swait.ge [sflag:s4], $0x0  }
0x19: {  	s7 =	sld [smem:$0x3F9E]  }
0x1a: {  	s8 =	sadd.s32 $0xFFFFE003, lr  }
0x1b: {  	s9 =	sadd.s32 $0xFFFFFEF7, lr;
	s5 =	simm.s32 $0xFFFFFFFF;
	p2 =	slt.u32 s8, $0xFFFFF086  }
0x1c: {  	p1 =	slt.u32 s9, $0xF7A;
	s5 =	simm.s32 @!p2 $0x0  }
0x1d: {  	s5 =	simm.s32 @p1 $0x1;
	p0 =	seq.s32 s7, s2  }
0x1e: {  	s7 =	smul.u32 @!p0 $0xF7A, s2;
	p2 =	seq.s32 @!p0 s5, $0x0  }
0x1f: {  	s9 =	smul.u32 $0xF7A, s1;
	s8 =	simm.s32 @!p0 $0x1BF5;
	p2 =	por !p2, p0  }
0x20: {  	[sflag:s8] =	ssyncset.s32 @!p0 $0xFFFFF086;
	s6 =	sadd.s32 @!p0 s3, s7;
	s7 =	simm.s32 @!p0 $0x108  }
0x21: {  	s3 =	sadd.s32 s3, s9;
	s6 =	sadd.s32 @!p0 $0x88, s6;
	s7 =	simm.s32 @p2 $0x1082  }
0x22: {  	[simem:s7], [sflag:s8] =	dma.local @!p0 [hbm:s6], $0xF7A  }
0x23: {  	s9 =	sor.u32 $0xD0000000, s2;
	s6 =	simm.s32 $0x108;
	_ =	swait.ge @!p0 [sflag:s8], $0x0  }
0x24: {  	s3 =	sadd.s32 $0x88, s3;
	s6 =	simm.s32 @!p1 $0x1082;
	[sflag:s4] =	ssyncset.s32 $0xFFFFF086  }
0x25: {  	[simem:s6], [sflag:s4] =	dma.local [hbm:s3], $0xF7A  }
0x26: {  	[smem:$0x3F9E] =	sst s1;
	(tag) =	ssettag s2;
	_ =	strace s9  }
0x27: {  	s1 =	sld [smem:$0x3FAE]  }
0x28: {  	s2 =	sld [smem:$0x3FAF]  }
0x29: {  	s4 =	sld [smem:$0x3FB1]  }
0x2a: {  	p0 =	seq.s32 s5, $0x0;
	s5 =	sld [smem:$0x3FB2]  }
0x2b: {  	s6 =	sld [smem:$0x3FB3]  }
0x2c: {  	s7 =	sld [smem:$0x3FB4]  }
0x2d: {  	s3 =	simm.s32 $0x108;
	s8 =	sld [smem:$0x3FB5]  }
0x2e: {  	s3 =	simm.s32 @!p0 $0x1082;
	s9 =	sld [smem:$0x3FB6]  }
0x2f: {  	lr =	sadd.s32 s0, s3;
	s0 =	sld [smem:$0x3FAD]  }
0x30: {  	s3 =	sld [smem:$0x3FB0]  }
0x31: {  	[smem:$0x3FB9] =	sst s10  }
0x32: {  	s10 =	sld [smem:$0x3FB7];
	_ =	sdelay $0x3  }
0x33: {  	p0 =	seq.s32 s10, $0x1;
	s10 =	sld [smem:$0x3FB9];
	_ =	sdelay $0x3  }
0x34: {  	[smem:$0x3FB9] =	sst s10  }
0x35: {  	s10 =	sld [smem:$0x3FB8];
	_ =	sdelay $0x3  }
0x36: {  	p1 =	seq.s32 s10, $0x1;
	s10 =	sld [smem:$0x3FB9];
	_ =	sdelay $0x3  }
0x37: {  	[smem:$0x3FB9] =	sst s10  }
0x38: {  	s10 =	sld [smem:$0x3FBA]  }
0x39: {  	_ = 	snop;
	(pc) =	sbr.ind lr, $3  }
0x3a: {  	_ = 	snop  }
0x3b: {  	_ = 	snop  }
0x3c: {  	p2 =	seq.s32 s10, $0x1;
	s10 =	sld [smem:$0x3FB9]  }
0x3d: {  	_ =	shalt  }
0x3e: {  	_ =	shalt  }
0x3f: {  	_ =	shalt  }
0x40: {  	_ =	shalt  }
0x41: {  	_ =	shalt  }
0x42: {  	_ =	shalt  }
0x43: {  	_ =	shalt  }
0x44: {  	_ =	shalt  }
0x45: {  	_ =	shalt  }
0x46: {  	_ =	shalt  }
0x47: {  	_ =	shalt  }
0x48: {  	_ =	shalt  }
0x49: {  	_ =	shalt  }
0x4a: {  	_ =	shalt  }
0x4b: {  	_ =	shalt  }
0x4c: {  	_ =	shalt  }
0x4d: {  	_ =	shalt  }
0x4e: {  	_ =	shalt  }
0x4f: {  	_ =	shalt  }
0x50: {  	_ =	shalt  }
0x51: {  	_ =	shalt  }
0x52: {  	_ =	shalt  }
0x53: {  	_ =	shalt  }
0x54: {  	_ =	shalt  }
0x55: {  	_ =	shalt  }
0x56: {  	_ =	shalt  }
0x57: {  	_ =	shalt  }
0x58: {  	_ =	shalt  }
0x59: {  	_ =	shalt  }
0x5a: {  	_ =	shalt  }
0x5b: {  	_ =	shalt  }
0x5c: {  	_ =	shalt  }
0x5d: {  	_ =	shalt  }
0x5e: {  	_ =	shalt  }
0x5f: {  	_ =	shalt  }
0x60: {  	_ =	shalt  }
0x61: {  	_ =	shalt  }
0x62: {  	_ =	shalt  }
0x63: {  	_ =	shalt  }
0x64: {  	_ =	shalt  }
0x65: {  	_ =	shalt  }
0x66: {  	_ =	shalt  }
0x67: {  	_ =	shalt  }
0x68: {  	_ =	shalt  }
0x69: {  	_ =	shalt  }
0x6a: {  	_ =	shalt  }
0x6b: {  	_ =	shalt  }
0x6c: {  	_ =	shalt  }
0x6d: {  	_ =	shalt  }
0x6e: {  	_ =	shalt  }
0x6f: {  	_ =	shalt  }
0x70: {  	_ =	shalt  }
0x71: {  	_ =	shalt  }
0x72: {  	_ =	shalt  }
0x73: {  	_ =	shalt  }
0x74: {  	_ =	shalt  }
0x75: {  	_ =	shalt  }
0x76: {  	_ =	shalt  }
0x77: {  	_ =	shalt  }
0x78: {  	_ =	shalt  }
0x79: {  	_ =	shalt  }
0x7a: {  	_ =	shalt  }
0x7b: {  	_ =	shalt  }
0x7c: {  	_ =	shalt  }
0x7d: {  	_ =	shalt  }
0x7e: {  	_ =	shalt  }
0x7f: {  	_ =	shalt  }
0x80: {  	_ =	shalt  }
0x81: {  	_ =	shalt  }
0x82: {  	_ =	shalt  }
0x83: {  	_ =	shalt  }
0x84: {  	_ =	shalt  }
0x85: {  	_ =	shalt  }
0x86: {  	_ =	shalt  }
0x87: {  	_ =	shalt  }
.Lfunc_end0:
.L_simem_size_0:
called_computation_lowered:
.L_overlay_start_0:
0x88: {  	s2 =	sld [smem:$0x3FD9]  }
0x89: {  	s3 =	sld [smem:$0x3FFE];
	_ =	sdelay $0x1  }
0x8a: {  	s1 =	srdreg.scid  }
0x8b: {  	s0 =	sand.u32 $0x1, s1  }
0x8c: {  	s17 =	sshll.u32 s0, $0xA;
	s2 =	sadd.s32 s3, s2  }
0x8d: {  	s2 =	sadd.s32 s2, s17  }
0x8e: {  	[smem:$0x3FC5] =	sst s2  }
0x8f: {  	_ = 	snop  }
0x90: {  	s2 =	sld [smem:$0x3FC8]  }
0x91: {  	s18 =	sld [smem:$0x3FC7];
	(tm) =	ssettm $0x1  }
0x92: {  	s4 =	sld [smem:$0x3FFB];
	_ =	sdelay $0x3  }
0x93: {  	_ =	strace s4  }
0x94: {  	s4 =	sld [smem:$0x3FFC];
	_ =	sdelay $0x3  }
0x95: {  	_ =	strace s4  }
0x96: {  	s4 =	sld [smem:$0x3FFD];
	_ =	sdelay $0x3  }
0x97: {  	_ =	strace s4  }
0x98: {  	_ =	strace $0x8FFFFFFF  }
0x99: {  	s19 =	sld [smem:$0x3FDB];
	_ =	sdelay $0x1  }
0x9a: {  	s5 =	simm.s32 $_scs_section_size  }
0x9b: {  	s6 =	simm.s32 $_size__tile_overlayer_lowered;
	s7 =	simm.s32 $_tile_overlayer_lowered  }
0x9c: {  	s22 =	simm.s32 $0x1BFF;
	s21 =	sshll.u32 s7, $0x1;
	s4 =	sadd.s32 s5, s19  }
0x9d: {  	s8 =	simm.s32 $0x0;
	s20 =	sshll.u32 s6, $0x1;
	s6 =	sadd.s32 s21, s4  }
0x9e: {  	[timem:s8], [sflag:s22] =	dma.local [hbm:s6], s20  }
0x9f: {  	_ =	swait.ge [sflag:s22], s20  }
0xa0: {  	s5 =	ssub.s32 $0x0, s20;
	[sflag:s22] =	ssyncset.done $0x0  }
0xa1: {  	[sflag:s22] =	ssyncadd.s32 s5;
	_ =	sdelay $0x1  }
0xa2: {  	s23 =	simm.s32 $0x1B8B  }
0xa3: {  	_ =	swait.ge [sflag:s23], $0x1  }
0xa4: {  	[sflag:s23] =	ssyncset.done $0x0  }
0xa5: {  	s25 =	simm.s32 $0x1B8E;
	s24 =	sld [smem:$0x3FFE];
	[sflag:s23] =	ssyncadd.s32 $0xFFFFFFFF  }
0xa6: {  	s26 =	simm.s32 $execute0_lowered;
	[smem:$0x3FD2] =	sst s25  }
0xa7: {  	s6 =	sshll.u32 s26, $0x1;
	_ =	strace $0x80000046;
	[dreg:$0x1] =	wrdreg $0xFFFFFFFF  }
0xa8: {  	s28 =	simm.s32 $_size_execute0_lowered;
	s4 =	sadd.s32 s4, s6;
	[dreg:$0x0] =	wrdreg $0x0  }
0xa9: {  	s6 =	sshll.u32 s28, $0x1;
	[dreg:$0x2] =	wrdreg s4  }
0xaa: {  	[dreg:$0x3] =	wrdreg s6  }
0xab: {  	[dreg:$0x4] =	wrdreg $0xC0  }
0xac: {  	_ =	task [dreg:s8], $0x5FFFF  }
0xad: {  	[dreg:$0x1] =	wrdreg $0xFFFFFFFF  }
0xae: {  	[dreg:$0x0] =	wrdreg $0x60  }
0xaf: {  	[dreg:$0x2] =	wrdreg s2  }
0xb0: {  	[dreg:$0x3] =	wrdreg s18  }
0xb1: {  	[dreg:$0x4] =	wrdreg s24  }
0xb2: {  	[dreg:$0x5] =	wrdreg $0xC5800  }
0xb3: {  	[dreg:$0x6] =	wrdreg $0x9  }
0xb4: {  	_ =	task.clear_ibuf [dreg:s8], $0x7FFFF;
	_ =	strace $0x90000046  }
0xb5: {  	s29 =	simm.s32 $0x9;
	_ =	strace $0x80000048  }
0xb6: {  	_ =	swait.ge [sflag:s29], $0x1  }
0xb7: {  	[sflag:s29] =	ssyncadd.s32 $0xFFFFFFFF  }
0xb8: {  	_ =	strace $0x90000048  }
0xb9: {  	_ =	sfence  }
0xba: {  	s30 =	sld [smem:$0x0];
	_ =	sdelay $0x2  }
0xbb: {  	s31 =	sshll.u32 s1, $0xD;
	s1 =	sshrl.u32 s1, $0x2  }
0xbc: {  	s3 =	sand.u32 $0x4000, s31;
	s1 =	sadd.s32 s1, s30  }
0xbd: {  	s0 =	sor.u32 s3, s0;
	s1 =	sshll.u32 s1, $0x11  }
0xbe: {  	s0 =	sor.u32 s1, s0  }
0xbf: {  	s0 =	sadd.s32 $0x8F2B, s0  }
0xc0: {  	[sflag:s0] =	ssyncadd.remote.s32 $0x1  }
0xc1: {  	_ =	sfence.sel $0xFFFF  }
0xc2: {  	[dreg:$0x0] =	wrdreg $0xFFFFFFFF;
	(pc) =	sbr.abs _section_cstart, $3  }
0xc3: {  	[dreg:$0x1] =	wrdreg $0xFFFFFFFF  }
0xc4: {  	_ =	task.clear_ibuf [dreg:s8], $0x2FFFF;
	_ =	strace $0x9FFFFFFF  }
0xc5: {  	(tm) =	ssettm $0x7FFFFFFF  }
tec
execute0_lowered:
.L_overlay_start_1:
0x0: {  	(tag) =	ssettag $0x1  }
0x1: {  	s0 =	srdreg.scid;
	s12 =	stileid.u32  }
0x2: {  	s11 =	sand.u32 $0x1, s0;
	s24 =	sshll.u32 s12, $0x1  }
0x3: {  	s0 =	sor.u32 s11, s24  }
0x4: {  	s1 =	smul.u32 $0x186A0, s0;
	_ =	sdelay $0x1  }
0x5: {  	s9 =	sshrl.u32 s1, $0x3  }
0x6: {  	s7 =	rddreg [dreg:$0x0];
	s3 =	sadd.s32 $0x28, s9  }
0x7: {  	s8 =	rddreg [dreg:$0x1];
	s2 =	ssub.s32 $0x2, s11;
	s26 =	sadd.s32 s7, s3  }
0x8: {  	s31 =	sadd.s32 $0x4E2, s9;
	s4 =	sadd.s32 s8, s3;
	[dreg:$0x5] =	wrdreg s26  }
0x9: {  	s25 =	sshrl.u32 s2, $0x1;
	s5 =	sadd.s32 s7, s31;
	[dreg:$0x6] =	wrdreg s4  }
0xa: {  	s6 =	sadd.s32 $0x50A, s9;
	s1 =	sadd.s32 s8, s31;
	[dreg:$0x7] =	wrdreg s5  }
0xb: {  	s13 =	ssub.s32 s2, s25;
	s10 =	sadd.s32 s7, s6;
	[dreg:$0x8] =	wrdreg s1  }
0xc: {  	s14 =	sadd.s32 $0x9C4, s9;
	s2 =	sadd.s32 s8, s6;
	[dreg:$0x9] =	wrdreg s10  }
0xd: {  	s16 =	sadd.s32 $0x9EC, s9;
	s15 =	sadd.s32 s7, s14;
	[dreg:$0xa] =	wrdreg s2  }
0xe: {  	s18 =	sadd.s32 $0xEA6, s9;
	s17 =	sadd.s32 s7, s16;
	[dreg:$0xb] =	wrdreg s15  }
0xf: {  	s20 =	sadd.s32 $0xECE, s9;
	s19 =	sadd.s32 s7, s18;
	[dreg:$0xd] =	wrdreg s17  }
0x10: {  	s22 =	sadd.s32 $0x1388, s9;
	s21 =	sadd.s32 s7, s20;
	[dreg:$0xf] =	wrdreg s19  }
0x11: {  	s24 =	sadd.s32 $0x13B0, s9;
	s23 =	sadd.s32 s7, s22;
	[dreg:$0x11] =	wrdreg s21  }
0x12: {  	s28 =	simm.s32 $0x5;
	s25 =	sadd.s32 s7, s24;
	[dreg:$0x13] =	wrdreg s23  }
0x13: {  	s29 =	simm.s32 $0x6;
	s1 =	sadd.s32 s8, s14;
	[dreg:$0x15] =	wrdreg s25  }
0x14: {  	s3 =	sadd.s32 $0x1892, s9;
	s2 =	sadd.s32 s8, s16;
	[dreg:$0xc] =	wrdreg s1  }
0x15: {  	s30 =	simm.s32 $0x7;
	s4 =	sadd.s32 s7, s3;
	[dreg:$0xe] =	wrdreg s2  }
0x16: {  	p0 =	sne.s32 s12, $0x0;
	s1 =	sadd.s32 s8, s18;
	[dreg:$0x19] =	wrdreg s4  }
0x17: {  	s26 =	sadd.s32 $0x186A, s9;
	s2 =	sadd.s32 s8, s20;
	[dreg:$0x10] =	wrdreg s1  }
0x18: {  	s5 =	sadd.s32 $0x1D4C, s9;
	s31 =	sadd.s32 s7, s26;
	[dreg:$0x12] =	wrdreg s2  }
0x19: {  	s10 =	sadd.s32 $0x1D74, s9;
	s6 =	sadd.s32 s7, s5;
	[dreg:$0x17] =	wrdreg s31  }
0x1a: {  	s15 =	sadd.s32 $0x222E, s9;
	s14 =	sadd.s32 s7, s10;
	[dreg:$0x1b] =	wrdreg s6  }
0x1b: {  	s17 =	sadd.s32 $0x2256, s9;
	s16 =	sadd.s32 s7, s15;
	[dreg:$0x1d] =	wrdreg s14  }
0x1c: {  	s19 =	sadd.s32 $0x2710, s9;
	s18 =	sadd.s32 s7, s17;
	[dreg:$0x1f] =	wrdreg s16  }
0x1d: {  	s21 =	sadd.s32 $0x2738, s9;
	s20 =	sadd.s32 s7, s19;
	[smem:$0x7F6] =	sst s18  }
0x1e: {  	s0 =	sshll.u32 s0, $0x7;
	s23 =	sadd.s32 s8, s21;
	[smem:$0x7F8] =	sst s20  }
0x1f: {  	s0 =	sand.u32 $0x380, s0;
	s13 =	smax.u32 s13, $0x1;
	[smem:$0x7FB] =	sst s23  }
0x20: {  	s1 =	sadd.s32 s8, s22;
	s31 =	sshll.u32 s11, $0x4;
	s11 =	rddreg [dreg:$0x3]  }
0x21: {  	s4 =	sadd.s32 $0x2BF2, s9;
	s2 =	sadd.s32 s8, s24;
	[dreg:$0x14] =	wrdreg s1  }
0x22: {  	s22 =	sadd.s32 s7, s21;
	s24 =	sadd.s32 s7, s4;
	[dreg:$0x16] =	wrdreg s2  }
0x23: {  	s25 =	sadd.s32 s8, s4;
	s6 =	sadd.s32 s8, s9;
	[smem:$0x7FA] =	sst s22  }
0x24: {  	s16 =	simm.s32 $0x5200;
	s18 =	simm.s32 $0x1;
	[smem:$0x7FC] =	sst s24  }
0x25: {  	s20 =	simm.s32 $0x180;
	s21 =	simm.s32 $0x480;
	[smem:$0x7FD] =	sst s25  }
0x26: {  	s23 =	simm.s32 $0x7800;
	s1 =	sadd.s32 s8, s26;
	s26 =	rddreg [dreg:$0x2]  }
0x27: {  	s2 =	sadd.s32 s8, s3;
	s22 =	simm.s32 $0x2C00;
	[dreg:$0x18] =	wrdreg s1  }
0x28: {  	s24 =	simm.s32 $0x9E00;
	s25 =	simm.s32 $0x4;
	[dreg:$0x1a] =	wrdreg s2  }
0x29: {  	s1 =	sadd.s32 s8, s5;
	s2 =	sadd.s32 s8, s10;
	s5 =	sadd.s32 s7, s9  }
0x2a: {  	s10 =	sshrl.u32 s12, $0x2;
	s9 =	sadd.s32 $0x2C1A, s9;
	[dreg:$0x1c] =	wrdreg s1  }
0x2b: {  	s14 =	sadd.s32 $0x400, s26;
	s26 =	simm.s32 $0x2;
	[dreg:$0x1e] =	wrdreg s2  }
0x2c: {  	s1 =	sadd.s32 s8, s15;
	s2 =	sadd.s32 s8, s17;
	s10 =	smul.u32 $0x13C00, s10  }
0x2d: {  	s7 =	sadd.s32 s7, s9;
	s15 =	simm.s32 $0x600;
	[smem:$0x7F5] =	sst s1  }
0x2e: {  	s17 =	simm.s32 $0x3;
	[smem:$0x7F7] =	sst s2;
	s1 =	sadd.s32 s8, s19  }
0x2f: {  	s8 =	sadd.s32 s8, s9;
	s9 =	simm.s32 $0x0;
	s0 =	sor.u32 s10, s0  }
0x30: {  	v1 =	vlaneseq.u32;
	s19 =	simm.s32 $0x140;
	[smem:$0x7F9] =	sst s1;
	s0 =	sshrl.u32 s0, $0x3  }
0x31: {  	v1 =	vmul.u32 $0x25D, v1;
	[smem:$0x7FF] =	sst s9;
	s10 =	sadd.s32 s14, s0;
	s0 =	sadd.s32 s31, s14  }
0x32: {  	v0 =	vimm.f32 $0.0e+00;
	_ =	strace $0x80000047;
	s14 =	simm.s32 $0x300;
	s12 =	sadd.s32 $0x9E00, s0  }
.LBB2_1:
0x33: {  	s0 =	simm.s32 $0x40;
	s31 =	simm.s32 $0x0  }
.LBB2_2:
0x34: {  	p1 =	sne.s32 s0, $0x9C00;
	[tilespmem:s31+$0x9E00] =	vst v0;
	s31 =	smov.u32 s0;
	s0 =	sadd.s32 $0x40, s0  }
.Ltmp0:
0x35: {  	(pc) =	sbr.rel @p1 .LBB2_2-.Ltmp0, $2  }
0x36: {  	_ =	sdelay $0x2  }
0x37: {  	s31 =	sshra.s32 s31, $0x2  }
0x38: {  	[tilespmem:s31+$0x9E00] =	vst v0;
	s0 =	simm.s32 @!p0 $0x9E00  }
0x39: {  	[spmem:s11] =	stream.linear.scatter @!p0 [tilespmem:s0], [sflag:$0x7], $0x2780, $0x38;
	[tilespmem:$0xC7F8] =	vst v63  }
0x3a: {  	s0 =	simm.s32 @!p0 $0x7  }
0x3b: {  	_ =	swait.ge @!p0 [sflag:s0], $0x2780  }
0x3c: {  	[sflag:s0] =	ssyncset.done @!p0 $0x0  }
0x3d: {  	[sflag:s0] =	ssyncadd.s32 @!p0 $0xFFFFD880;
	s0 =	simm.s32 $0x0  }
0x3e: {  	[tilespmem:s0], [sflag:$0x3] =	stream.linear.gather [hbm4b:s5+s0], $0x140, $0x38;
	[tilespmem:$0xC7F8] =	vst v63  }
0x3f: {  	_ = 	snop  }
0x40: {  	[tilespmem:s14], [sflag:$0x1] =	stream.linear.gather [hbm4b:s6+s0], $0x140, $0x38;
	[tilespmem:$0xC7F8] =	vst v63  }
0x41: {  	s1 =	rddreg [dreg:$0x5]  }
0x42: {  	[tilespmem:s15], [sflag:$0x1] =	stream.linear.gather [hbm4b:s1+s0], $0x25D0, $0x38;
	[tilespmem:$0xC7F8] =	vst v63  }
0x43: {  	s3 =	rddreg [dreg:$0x6]  }
0x44: {  	[tilespmem:s16], [sflag:$0x1] =	stream.linear.gather [hbm4b:s3+s0], $0x25D0, $0x38;
	[tilespmem:$0xC7F8] =	vst v63  }
0x45: {  	[bflag:$0x0] =	sbarrier.arrive $0xFFFF  }
0x46: {  	_ =	swait.ge [sflag:s17], $0x140  }
0x47: {  	[sflag:s17] =	ssyncset.done $0x0  }
0x48: {  	[sflag:s17] =	ssyncadd.s32 $0xFFFFFEC0  }
0x49: {  	_ =	swait.ge [sflag:s18], $0x140  }
0x4a: {  	[sflag:s18] =	ssyncset.done $0x0  }
0x4b: {  	[sflag:s18] =	ssyncadd.s32 $0xFFFFFEC0  }
0x4c: {  	_ =	swait.ge [sflag:s18], $0x25D0  }
0x4d: {  	[sflag:s18] =	ssyncset.done $0x0  }
0x4e: {  	[sflag:s18] =	ssyncadd.s32 $0xFFFFDA30  }
0x4f: {  	_ =	swait.ge [sflag:s18], $0x25D0  }
0x50: {  	[sflag:s18] =	ssyncset.done $0x0  }
0x51: {  	[sflag:s18] =	ssyncadd.s32 $0xFFFFDA30  }
0x52: {  	[spmem:s11] =	stream.indirect.scatter.add.f32 [tilespmem:s14], [sflag:$0x5], $0x1, s0, s19, $0xb8;
	[tilespmem:$0xC7F8] =	vst v63  }
0x53: {  	s4 =	rddreg [dreg:$0x7]  }
0x54: {  	[tilespmem:s20], [sflag:$0x4] =	stream.linear.gather [hbm4b:s4+s0], $0x140, $0x38;
	[tilespmem:$0xC7F8] =	vst v63  }
0x55: {  	s31 =	simm.s32 $0x6;
	s2 =	rddreg [dreg:$0x8]  }
0x56: {  	v3 =	vadd.s32 s0, v1;
	[tilespmem:s21], [sflag:$0x2] =	stream.linear.gather [hbm4b:s2+s0], $0x140, $0x38;
	[tilespmem:$0xC7F8] =	vst v63  }
0x57: {  	v4 =	vadd.s32 s31, v1;
	s3 =	rddreg [dreg:$0x9]  }
0x58: {  	[tilespmem:s22], [sflag:$0x2] =	stream.linear.gather [hbm4b:s3+s0], $0x25D0, $0x38;
	[tilespmem:$0xC7F8] =	vst v63  }
0x59: {  	s31 =	simm.s32 $0x7;
	s1 =	simm.s32 $0x1;
	s4 =	rddreg [dreg:$0xa]  }
0x5a: {  	v6 =	vadd.s32 s1, v1;
	[tilespmem:s23], [sflag:$0x2] =	stream.linear.gather [hbm4b:s4+s0], $0x25D0, $0x38;
	[tilespmem:$0xC7F8] =	vst v63  }
0x5b: {  	v8 =	vadd.s32 s31, v1;
	v2 =	vld.idx.msk [tilespmem:v3+s15+$0x0], $0xffff  }
0x5c: {  	v12 =	vld.idx.msk [tilespmem:v4+s16+$0x0], $0xffff  }
0x5d: {  	s31 =	simm.s32 $0x2;
	v3 =	vld.idx.msk [tilespmem:v3+s16+$0x0], $0xffff  }
0x5e: {  	v11 =	vadd.s32 s31, v1;
	v13 =	vld.idx.msk [tilespmem:v4+s15+$0x0], $0xffff  }
0x5f: {  	s2 =	simm.s32 $0x3;
	v5 =	vld.idx.msk [tilespmem:v6+s16+$0x0], $0xffff  }
0x60: {  	v9 =	vadd.s32 s2, v1;
	v15 =	vld.idx.msk [tilespmem:v8+s16+$0x0], $0xffff  }
0x61: {  	s3 =	simm.s32 $0x5;
	v7 =	vld.idx.msk [tilespmem:v6+s15+$0x0], $0xffff  }
0x62: {  	v14 =	vadd.s32 s3, v1;
	v19 =	vld.idx.msk [tilespmem:v8+s15+$0x0], $0xffff  }
0x63: {  	s4 =	simm.s32 $0x4;
	v10 =	vld.idx.msk [tilespmem:v11+s15+$0x0], $0xffff  }
0x64: {  	v16 =	vadd.s32 s4, v1;
	v11 =	vld.idx.msk [tilespmem:v11+s16+$0x0], $0xffff  }
0x65: {  	v18 =	vld.idx.msk [tilespmem:v9+s15+$0x0], $0xffff  }
0x66: {  	v17 =	vld.idx.msk [tilespmem:v9+s16+$0x0], $0xffff  }
0x67: {  	v4 =	vld.idx.msk [tilespmem:v14+s16+$0x0], $0xffff  }
0x68: {  	v8 =	vld.idx.msk [tilespmem:v14+s15+$0x0], $0xffff  }
0x69: {  	v6 =	vld.idx.msk [tilespmem:v16+s16+$0x0], $0xffff  }
0x6a: {  	v9 =	vld.idx.msk [tilespmem:v16+s15+$0x0], $0xffff  }
0x6b: {  	[tilespmem:v13+s24+$0x0] =	vst.idx.add.f32.msk $0xffff, v12  }
0x6c: {  	[tilespmem:v19+s24+$0x0] =	vst.idx.add.f32.msk $0xffff, v15  }
0x6d: {  	s31 =	simm.s32 $0x258;
	s0 =	simm.s32 $0x8;
	[tilespmem:v18+s24+$0x0] =	vst.idx.add.f32.msk $0xffff, v17  }
.LBB2_4:
0x6e: {  	s1 =	sadd.s32 $0x1, s0  }
0x6f: {  	v12 =	vadd.s32 s0, v1;
	s2 =	sadd.s32 $0x6, s0;
	s3 =	sadd.s32 $0x7, s0;
	[tilespmem:v7+s24+$0x0] =	vst.idx.add.f32.msk $0xffff, v5;
	s4 =	smov.u32 s0  }
0x70: {  	p1 =	slt.u32 s0, $0x250;
	s0 =	sadd.s32 $0x8, s0;
	v7 =	vadd.s32 s1, v1;
	s1 =	sadd.s32 $0x2, s4;
	v5 =	vadd.s32 s2, v1;
	v13 =	vadd.s32 s3, v1;
	[tilespmem:v10+s24+$0x0] =	vst.idx.add.f32.msk $0xffff, v11  }
0x71: {  	v11 =	vadd.s32 s1, v1;
	s1 =	sadd.s32 $0x3, s4;
	[tilespmem:v2+s24+$0x0] =	vst.idx.add.f32.msk $0xffff, v3  }
0x72: {  	v10 =	vadd.s32 s1, v1;
	s1 =	sadd.s32 $0x4, s4;
	[tilespmem:v9+s24+$0x0] =	vst.idx.add.f32.msk $0xffff, v6  }
0x73: {  	v9 =	vadd.s32 s1, v1;
	s1 =	sadd.s32 $0x5, s4;
	[tilespmem:v8+s24+$0x0] =	vst.idx.add.f32.msk $0xffff, v4  }
0x74: {  	v2 =	vld.idx.msk [tilespmem:v12+s15+$0x0], $0xffff;
	v8 =	vadd.s32 s1, v1  }
0x75: {  	v14 =	vld.idx.msk [tilespmem:v5+s16+$0x0], $0xffff  }
0x76: {  	v3 =	vld.idx.msk [tilespmem:v12+s16+$0x0], $0xffff  }
0x77: {  	v12 =	vld.idx.msk [tilespmem:v5+s15+$0x0], $0xffff  }
0x78: {  	v5 =	vld.idx.msk [tilespmem:v7+s16+$0x0], $0xffff  }
0x79: {  	v15 =	vld.idx.msk [tilespmem:v13+s16+$0x0], $0xffff  }
0x7a: {  	v7 =	vld.idx.msk [tilespmem:v7+s15+$0x0], $0xffff  }
0x7b: {  	v16 =	vld.idx.msk [tilespmem:v10+s16+$0x0], $0xffff  }
0x7c: {  	v17 =	vld.idx.msk [tilespmem:v10+s15+$0x0], $0xffff  }
0x7d: {  	v4 =	vld.idx.msk [tilespmem:v8+s16+$0x0], $0xffff  }
0x7e: {  	v13 =	vld.idx.msk [tilespmem:v13+s15+$0x0], $0xffff  }
0x7f: {  	v6 =	vld.idx.msk [tilespmem:v9+s16+$0x0], $0xffff  }
0x80: {  	v10 =	vld.idx.msk [tilespmem:v11+s15+$0x0], $0xffff  }
0x81: {  	v11 =	vld.idx.msk [tilespmem:v11+s16+$0x0], $0xffff  }
.Ltmp1:
0x82: {  	v9 =	vld.idx.msk [tilespmem:v9+s15+$0x0], $0xffff;
	(pc) =	sbr.rel @p1 .LBB2_4-.Ltmp1, $4  }
0x83: {  	v8 =	vld.idx.msk [tilespmem:v8+s15+$0x0], $0xffff  }
0x84: {  	[tilespmem:v17+s24+$0x0] =	vst.idx.add.f32.msk $0xffff, v16  }
0x85: {  	[tilespmem:v12+s24+$0x0] =	vst.idx.add.f32.msk $0xffff, v14  }
0x86: {  	[tilespmem:v13+s24+$0x0] =	vst.idx.add.f32.msk $0xffff, v15  }
0x87: {  	_ =	sdelay $0x3  }
0x88: {  	[tilespmem:v7+s24+$0x0] =	vst.idx.add.f32.msk $0xffff, v5  }
0x89: {  	[tilespmem:v10+s24+$0x0] =	vst.idx.add.f32.msk $0xffff, v11  }
0x8a: {  	[tilespmem:v2+s24+$0x0] =	vst.idx.add.f32.msk $0xffff, v3  }
0x8b: {  	[tilespmem:v9+s24+$0x0] =	vst.idx.add.f32.msk $0xffff, v6  }
0x8c: {  	[tilespmem:v8+s24+$0x0] =	vst.idx.add.f32.msk $0xffff, v4  }
.LBB2_6:
0x8d: {  	v2 =	vadd.s32 s31, v1;
	_ =	sdelay $0x4  }
0x8e: {  	v3 =	vld.idx.msk [tilespmem:v2+s15+$0x0], $0xffff;
	_ =	sdelay $0x2  }
0x8f: {  	p1 =	sne.s32 s31, $0x25C;
	v2 =	vld.idx.msk [tilespmem:v2+s16+$0x0], $0xffff  }
.Ltmp2:
0x90: {  	_ = 	snop;
	(pc) =	sbr.rel @p1 .LBB2_6-.Ltmp2, $2  }
0x91: {  	_ =	sdelay $0x2  }
0x92: {  	s31 =	sadd.s32 $0x1, s31;
	[tilespmem:v3+s24+$0x0] =	vst.idx.add.f32.msk $0xffff, v2  }
0x93: {  	_ =	swait.ge [sflag:s25], $0x140  }
0x94: {  	[sflag:s25] =	ssyncset.done $0x0  }
0x95: {  	[sflag:s25] =	ssyncadd.s32 $0xFFFFFEC0  }
0x96: {  	_ =	swait.ge [sflag:s26], $0x140  }
0x97: {  	[sflag:s26] =	ssyncset.done $0x0  }
0x98: {  	[sflag:s26] =	ssyncadd.s32 $0xFFFFFEC0  }
0x99: {  	_ =	swait.ge [sflag:s26], $0x25D0  }
0x9a: {  	[sflag:s26] =	ssyncset.done $0x0  }
0x9b: {  	[sflag:s26] =	ssyncadd.s32 $0xFFFFDA30  }
0x9c: {  	_ =	swait.ge [sflag:s26], $0x25D0  }
0x9d: {  	[sflag:s26] =	ssyncset.done $0x0  }
0x9e: {  	[sflag:s26] =	ssyncadd.s32 $0xFFFFDA30  }
0x9f: {  	[spmem:s11] =	stream.indirect.scatter.add.f32 [tilespmem:s21], [sflag:$0x6], $0x1, s20, s19, $0xb8;
	[tilespmem:$0xC7F8] =	vst v63  }
0xa0: {  	_ =	swait.ge [sflag:s28], $0x140  }
0xa1: {  	[sflag:s28] =	ssyncset.done $0x0  }
0xa2: {  	s0 =	simm.s32 $0x0;
	s1 =	rddreg [dreg:$0xb];
	[sflag:s28] =	ssyncadd.s32 $0xFFFFFEC0  }
0xa3: {  	[tilespmem:s0], [sflag:$0x3] =	stream.linear.gather [hbm4b:s1+s0], $0x140, $0x38;
	[tilespmem:$0xC7F8] =	vst v63  }
0xa4: {  	s2 =	simm.s32 $0x6;
	s4 =	rddreg [dreg:$0xc]  }
0xa5: {  	v3 =	vadd.s32 s0, v1;
	[tilespmem:s14], [sflag:$0x1] =	stream.linear.gather [hbm4b:s4+s0], $0x140, $0x38;
	[tilespmem:$0xC7F8] =	vst v63  }
0xa6: {  	v4 =	vadd.s32 s2, v1;
	s31 =	rddreg [dreg:$0xd]  }
0xa7: {  	[tilespmem:s15], [sflag:$0x1] =	stream.linear.gather [hbm4b:s31+s0], $0x25D0, $0x38;
	[tilespmem:$0xC7F8] =	vst v63  }
0xa8: {  	s2 =	simm.s32 $0x3;
	s3 =	rddreg [dreg:$0xe]  }
0xa9: {  	v9 =	vadd.s32 s2, v1;
	[tilespmem:s16], [sflag:$0x1] =	stream.linear.gather [hbm4b:s3+s0], $0x25D0, $0x38;
	[tilespmem:$0xC7F8] =	vst v63  }
0xaa: {  	s4 =	simm.s32 $0x1;
	v2 =	vld.idx.msk [tilespmem:v3+s22+$0x0], $0xffff  }
0xab: {  	v6 =	vadd.s32 s4, v1;
	v12 =	vld.idx.msk [tilespmem:v4+s23+$0x0], $0xffff  }
0xac: {  	s4 =	simm.s32 $0x4;
	v3 =	vld.idx.msk [tilespmem:v3+s23+$0x0], $0xffff  }
0xad: {  	v16 =	vadd.s32 s4, v1;
	v13 =	vld.idx.msk [tilespmem:v4+s22+$0x0], $0xffff  }
0xae: {  	s31 =	simm.s32 $0x7;
	v17 =	vld.idx.msk [tilespmem:v9+s23+$0x0], $0xffff  }
0xaf: {  	v8 =	vadd.s32 s31, v1;
	v18 =	vld.idx.msk [tilespmem:v9+s22+$0x0], $0xffff  }
0xb0: {  	s31 =	simm.s32 $0x2;
	v5 =	vld.idx.msk [tilespmem:v6+s23+$0x0], $0xffff  }
0xb1: {  	v11 =	vadd.s32 s31, v1;
	v7 =	vld.idx.msk [tilespmem:v6+s22+$0x0], $0xffff  }
0xb2: {  	s3 =	simm.s32 $0x5;
	v6 =	vld.idx.msk [tilespmem:v16+s23+$0x0], $0xffff  }
0xb3: {  	v14 =	vadd.s32 s3, v1;
	v9 =	vld.idx.msk [tilespmem:v16+s22+$0x0], $0xffff  }
0xb4: {  	v19 =	vld.idx.msk [tilespmem:v8+s22+$0x0], $0xffff  }
0xb5: {  	v15 =	vld.idx.msk [tilespmem:v8+s23+$0x0], $0xffff  }
0xb6: {  	v10 =	vld.idx.msk [tilespmem:v11+s22+$0x0], $0xffff  }
0xb7: {  	v11 =	vld.idx.msk [tilespmem:v11+s23+$0x0], $0xffff  }
0xb8: {  	v4 =	vld.idx.msk [tilespmem:v14+s23+$0x0], $0xffff  }
0xb9: {  	v8 =	vld.idx.msk [tilespmem:v14+s22+$0x0], $0xffff  }
0xba: {  	[tilespmem:v18+s24+$0x0] =	vst.idx.add.f32.msk $0xffff, v17  }
0xbb: {  	[tilespmem:v13+s24+$0x0] =	vst.idx.add.f32.msk $0xffff, v12  }
0xbc: {  	s0 =	simm.s32 $0x8;
	[tilespmem:v19+s24+$0x0] =	vst.idx.add.f32.msk $0xffff, v15  }
.LBB2_8:
0xbd: {  	s1 =	sadd.s32 $0x1, s0  }
0xbe: {  	v12 =	vadd.s32 s0, v1;
	s2 =	sadd.s32 $0x6, s0;
	s3 =	sadd.s32 $0x7, s0;
	[tilespmem:v7+s24+$0x0] =	vst.idx.add.f32.msk $0xffff, v5;
	s4 =	smov.u32 s0  }
0xbf: {  	p1 =	slt.u32 s0, $0x250;
	s0 =	sadd.s32 $0x8, s0;
	v7 =	vadd.s32 s1, v1;
	s1 =	sadd.s32 $0x2, s4;
	v5 =	vadd.s32 s2, v1;
	v13 =	vadd.s32 s3, v1;
	[tilespmem:v10+s24+$0x0] =	vst.idx.add.f32.msk $0xffff, v11  }
0xc0: {  	v11 =	vadd.s32 s1, v1;
	s1 =	sadd.s32 $0x3, s4;
	[tilespmem:v2+s24+$0x0] =	vst.idx.add.f32.msk $0xffff, v3  }
0xc1: {  	v10 =	vadd.s32 s1, v1;
	s1 =	sadd.s32 $0x4, s4;
	[tilespmem:v9+s24+$0x0] =	vst.idx.add.f32.msk $0xffff, v6  }
0xc2: {  	v9 =	vadd.s32 s1, v1;
	s1 =	sadd.s32 $0x5, s4;
	[tilespmem:v8+s24+$0x0] =	vst.idx.add.f32.msk $0xffff, v4  }
0xc3: {  	v2 =	vld.idx.msk [tilespmem:v12+s22+$0x0], $0xffff;
	v8 =	vadd.s32 s1, v1  }
0xc4: {  	v14 =	vld.idx.msk [tilespmem:v5+s23+$0x0], $0xffff  }
0xc5: {  	v3 =	vld.idx.msk [tilespmem:v12+s23+$0x0], $0xffff  }
0xc6: {  	v12 =	vld.idx.msk [tilespmem:v5+s22+$0x0], $0xffff  }
0xc7: {  	v5 =	vld.idx.msk [tilespmem:v7+s23+$0x0], $0xffff  }
0xc8: {  	v15 =	vld.idx.msk [tilespmem:v13+s23+$0x0], $0xffff  }
0xc9: {  	v7 =	vld.idx.msk [tilespmem:v7+s22+$0x0], $0xffff  }
0xca: {  	v16 =	vld.idx.msk [tilespmem:v10+s23+$0x0], $0xffff  }
0xcb: {  	v17 =	vld.idx.msk [tilespmem:v10+s22+$0x0], $0xffff  }
0xcc: {  	v4 =	vld.idx.msk [tilespmem:v8+s23+$0x0], $0xffff  }
0xcd: {  	v13 =	vld.idx.msk [tilespmem:v13+s22+$0x0], $0xffff  }
0xce: {  	v6 =	vld.idx.msk [tilespmem:v9+s23+$0x0], $0xffff  }
0xcf: {  	v10 =	vld.idx.msk [tilespmem:v11+s22+$0x0], $0xffff  }
0xd0: {  	v11 =	vld.idx.msk [tilespmem:v11+s23+$0x0], $0xffff  }
.Ltmp3:
0xd1: {  	v9 =	vld.idx.msk [tilespmem:v9+s22+$0x0], $0xffff;
	(pc) =	sbr.rel @p1 .LBB2_8-.Ltmp3, $4  }
0xd2: {  	v8 =	vld.idx.msk [tilespmem:v8+s22+$0x0], $0xffff  }
0xd3: {  	[tilespmem:v17+s24+$0x0] =	vst.idx.add.f32.msk $0xffff, v16  }
0xd4: {  	[tilespmem:v12+s24+$0x0] =	vst.idx.add.f32.msk $0xffff, v14  }
0xd5: {  	s31 =	simm.s32 $0x258;
	[tilespmem:v13+s24+$0x0] =	vst.idx.add.f32.msk $0xffff, v15  }
0xd6: {  	_ =	sdelay $0x3  }
0xd7: {  	[tilespmem:v7+s24+$0x0] =	vst.idx.add.f32.msk $0xffff, v5  }
0xd8: {  	[tilespmem:v10+s24+$0x0] =	vst.idx.add.f32.msk $0xffff, v11  }
0xd9: {  	[tilespmem:v2+s24+$0x0] =	vst.idx.add.f32.msk $0xffff, v3  }
0xda: {  	[tilespmem:v9+s24+$0x0] =	vst.idx.add.f32.msk $0xffff, v6  }
0xdb: {  	[tilespmem:v8+s24+$0x0] =	vst.idx.add.f32.msk $0xffff, v4  }
.LBB2_10:
0xdc: {  	v2 =	vadd.s32 s31, v1;
	_ =	sdelay $0x4  }
0xdd: {  	v3 =	vld.idx.msk [tilespmem:v2+s22+$0x0], $0xffff;
	_ =	sdelay $0x2  }
0xde: {  	p1 =	sne.s32 s31, $0x25C;
	v2 =	vld.idx.msk [tilespmem:v2+s23+$0x0], $0xffff  }
.Ltmp4:
0xdf: {  	_ = 	snop;
	(pc) =	sbr.rel @p1 .LBB2_10-.Ltmp4, $2  }
0xe0: {  	_ =	sdelay $0x2  }
0xe1: {  	s31 =	sadd.s32 $0x1, s31;
	[tilespmem:v3+s24+$0x0] =	vst.idx.add.f32.msk $0xffff, v2  }
0xe2: {  	_ =	swait.ge [sflag:s17], $0x140  }
0xe3: {  	[sflag:s17] =	ssyncset.done $0x0  }
0xe4: {  	[sflag:s17] =	ssyncadd.s32 $0xFFFFFEC0  }
0xe5: {  	_ =	swait.ge [sflag:s18], $0x140  }
0xe6: {  	[sflag:s18] =	ssyncset.done $0x0  }
0xe7: {  	[sflag:s18] =	ssyncadd.s32 $0xFFFFFEC0  }
0xe8: {  	_ =	swait.ge [sflag:s18], $0x25D0  }
0xe9: {  	[sflag:s18] =	ssyncset.done $0x0  }
0xea: {  	[sflag:s18] =	ssyncadd.s32 $0xFFFFDA30  }
0xeb: {  	_ =	swait.ge [sflag:s18], $0x25D0  }
0xec: {  	[sflag:s18] =	ssyncset.done $0x0  }
0xed: {  	s0 =	simm.s32 $0x0;
	[sflag:s18] =	ssyncadd.s32 $0xFFFFDA30  }
0xee: {  	[spmem:s11] =	stream.indirect.scatter.add.f32 [tilespmem:s14], [sflag:$0x5], $0x1, s0, s19, $0xb8;
	[tilespmem:$0xC7F8] =	vst v63  }
0xef: {  	_ =	swait.ge [sflag:s29], $0x140  }
0xf0: {  	[sflag:s29] =	ssyncset.done $0x0  }
0xf1: {  	s1 =	rddreg [dreg:$0xf];
	[sflag:s29] =	ssyncadd.s32 $0xFFFFFEC0  }
0xf2: {  	[tilespmem:s20], [sflag:$0x4] =	stream.linear.gather [hbm4b:s1+s0], $0x140, $0x38;
	[tilespmem:$0xC7F8] =	vst v63  }
0xf3: {  	s2 =	simm.s32 $0x6;
	s4 =	rddreg [dreg:$0x10]  }
0xf4: {  	v3 =	vadd.s32 s0, v1;
	[tilespmem:s21], [sflag:$0x2] =	stream.linear.gather [hbm4b:s4+s0], $0x140, $0x38;
	[tilespmem:$0xC7F8] =	vst v63  }
0xf5: {  	v4 =	vadd.s32 s2, v1;
	s31 =	rddreg [dreg:$0x11]  }
0xf6: {  	[tilespmem:s22], [sflag:$0x2] =	stream.linear.gather [hbm4b:s31+s0], $0x25D0, $0x38;
	[tilespmem:$0xC7F8] =	vst v63  }
0xf7: {  	s2 =	simm.s32 $0x3;
	s3 =	rddreg [dreg:$0x12]  }
0xf8: {  	v9 =	vadd.s32 s2, v1;
	[tilespmem:s23], [sflag:$0x2] =	stream.linear.gather [hbm4b:s3+s0], $0x25D0, $0x38;
	[tilespmem:$0xC7F8] =	vst v63  }
0xf9: {  	s4 =	simm.s32 $0x1;
	v2 =	vld.idx.msk [tilespmem:v3+s15+$0x0], $0xffff  }
0xfa: {  	v6 =	vadd.s32 s4, v1;
	v12 =	vld.idx.msk [tilespmem:v4+s16+$0x0], $0xffff  }
0xfb: {  	s4 =	simm.s32 $0x4;
	v3 =	vld.idx.msk [tilespmem:v3+s16+$0x0], $0xffff  }
0xfc: {  	v16 =	vadd.s32 s4, v1;
	v13 =	vld.idx.msk [tilespmem:v4+s15+$0x0], $0xffff  }
0xfd: {  	s31 =	simm.s32 $0x7;
	v17 =	vld.idx.msk [tilespmem:v9+s16+$0x0], $0xffff  }
0xfe: {  	v8 =	vadd.s32 s31, v1;
	v18 =	vld.idx.msk [tilespmem:v9+s15+$0x0], $0xffff  }
0xff: {  	s31 =	simm.s32 $0x2;
	v5 =	vld.idx.msk [tilespmem:v6+s16+$0x0], $0xffff  }
0x100: {  	v11 =	vadd.s32 s31, v1;
	v7 =	vld.idx.msk [tilespmem:v6+s15+$0x0], $0xffff  }
0x101: {  	s3 =	simm.s32 $0x5;
	v6 =	vld.idx.msk [tilespmem:v16+s16+$0x0], $0xffff  }
0x102: {  	v14 =	vadd.s32 s3, v1;
	v9 =	vld.idx.msk [tilespmem:v16+s15+$0x0], $0xffff  }
0x103: {  	v19 =	vld.idx.msk [tilespmem:v8+s15+$0x0], $0xffff  }
0x104: {  	v15 =	vld.idx.msk [tilespmem:v8+s16+$0x0], $0xffff  }
0x105: {  	v10 =	vld.idx.msk [tilespmem:v11+s15+$0x0], $0xffff  }
0x106: {  	v11 =	vld.idx.msk [tilespmem:v11+s16+$0x0], $0xffff  }
0x107: {  	v4 =	vld.idx.msk [tilespmem:v14+s16+$0x0], $0xffff  }
0x108: {  	v8 =	vld.idx.msk [tilespmem:v14+s15+$0x0], $0xffff  }
0x109: {  	[tilespmem:v18+s24+$0x0] =	vst.idx.add.f32.msk $0xffff, v17  }
0x10a: {  	[tilespmem:v13+s24+$0x0] =	vst.idx.add.f32.msk $0xffff, v12  }
0x10b: {  	s0 =	simm.s32 $0x8;
	[tilespmem:v19+s24+$0x0] =	vst.idx.add.f32.msk $0xffff, v15  }
.LBB2_12:
0x10c: {  	s1 =	sadd.s32 $0x1, s0  }
0x10d: {  	v12 =	vadd.s32 s0, v1;
	s2 =	sadd.s32 $0x6, s0;
	s3 =	sadd.s32 $0x7, s0;
	[tilespmem:v7+s24+$0x0] =	vst.idx.add.f32.msk $0xffff, v5;
	s4 =	smov.u32 s0  }
0x10e: {  	p1 =	slt.u32 s0, $0x250;
	s0 =	sadd.s32 $0x8, s0;
	v7 =	vadd.s32 s1, v1;
	s1 =	sadd.s32 $0x2, s4;
	v5 =	vadd.s32 s2, v1;
	v13 =	vadd.s32 s3, v1;
	[tilespmem:v10+s24+$0x0] =	vst.idx.add.f32.msk $0xffff, v11  }
0x10f: {  	v11 =	vadd.s32 s1, v1;
	s1 =	sadd.s32 $0x3, s4;
	[tilespmem:v2+s24+$0x0] =	vst.idx.add.f32.msk $0xffff, v3  }
0x110: {  	v10 =	vadd.s32 s1, v1;
	s1 =	sadd.s32 $0x4, s4;
	[tilespmem:v9+s24+$0x0] =	vst.idx.add.f32.msk $0xffff, v6  }
0x111: {  	v9 =	vadd.s32 s1, v1;
	s1 =	sadd.s32 $0x5, s4;
	[tilespmem:v8+s24+$0x0] =	vst.idx.add.f32.msk $0xffff, v4  }
0x112: {  	v2 =	vld.idx.msk [tilespmem:v12+s15+$0x0], $0xffff;
	v8 =	vadd.s32 s1, v1  }
0x113: {  	v14 =	vld.idx.msk [tilespmem:v5+s16+$0x0], $0xffff  }
0x114: {  	v3 =	vld.idx.msk [tilespmem:v12+s16+$0x0], $0xffff  }
0x115: {  	v12 =	vld.idx.msk [tilespmem:v5+s15+$0x0], $0xffff  }
0x116: {  	v5 =	vld.idx.msk [tilespmem:v7+s16+$0x0], $0xffff  }
0x117: {  	v15 =	vld.idx.msk [tilespmem:v13+s16+$0x0], $0xffff  }
0x118: {  	v7 =	vld.idx.msk [tilespmem:v7+s15+$0x0], $0xffff  }
0x119: {  	v16 =	vld.idx.msk [tilespmem:v10+s16+$0x0], $0xffff  }
0x11a: {  	v17 =	vld.idx.msk [tilespmem:v10+s15+$0x0], $0xffff  }
0x11b: {  	v4 =	vld.idx.msk [tilespmem:v8+s16+$0x0], $0xffff  }
0x11c: {  	v13 =	vld.idx.msk [tilespmem:v13+s15+$0x0], $0xffff  }
0x11d: {  	v6 =	vld.idx.msk [tilespmem:v9+s16+$0x0], $0xffff  }
0x11e: {  	v10 =	vld.idx.msk [tilespmem:v11+s15+$0x0], $0xffff  }
0x11f: {  	v11 =	vld.idx.msk [tilespmem:v11+s16+$0x0], $0xffff  }
.Ltmp5:
0x120: {  	v9 =	vld.idx.msk [tilespmem:v9+s15+$0x0], $0xffff;
	(pc) =	sbr.rel @p1 .LBB2_12-.Ltmp5, $4  }
0x121: {  	v8 =	vld.idx.msk [tilespmem:v8+s15+$0x0], $0xffff  }
0x122: {  	[tilespmem:v17+s24+$0x0] =	vst.idx.add.f32.msk $0xffff, v16  }
0x123: {  	[tilespmem:v12+s24+$0x0] =	vst.idx.add.f32.msk $0xffff, v14  }
0x124: {  	s31 =	simm.s32 $0x258;
	[tilespmem:v13+s24+$0x0] =	vst.idx.add.f32.msk $0xffff, v15  }
0x125: {  	_ =	sdelay $0x3  }
0x126: {  	[tilespmem:v7+s24+$0x0] =	vst.idx.add.f32.msk $0xffff, v5  }
0x127: {  	[tilespmem:v10+s24+$0x0] =	vst.idx.add.f32.msk $0xffff, v11  }
0x128: {  	[tilespmem:v2+s24+$0x0] =	vst.idx.add.f32.msk $0xffff, v3  }
0x129: {  	[tilespmem:v9+s24+$0x0] =	vst.idx.add.f32.msk $0xffff, v6  }
0x12a: {  	[tilespmem:v8+s24+$0x0] =	vst.idx.add.f32.msk $0xffff, v4  }
.LBB2_14:
0x12b: {  	v2 =	vadd.s32 s31, v1;
	_ =	sdelay $0x4  }
0x12c: {  	v3 =	vld.idx.msk [tilespmem:v2+s15+$0x0], $0xffff;
	_ =	sdelay $0x2  }
0x12d: {  	p1 =	sne.s32 s31, $0x25C;
	v2 =	vld.idx.msk [tilespmem:v2+s16+$0x0], $0xffff  }
.Ltmp6:
0x12e: {  	_ = 	snop;
	(pc) =	sbr.rel @p1 .LBB2_14-.Ltmp6, $2  }
0x12f: {  	_ =	sdelay $0x2  }
0x130: {  	s31 =	sadd.s32 $0x1, s31;
	[tilespmem:v3+s24+$0x0] =	vst.idx.add.f32.msk $0xffff, v2  }
0x131: {  	_ =	swait.ge [sflag:s25], $0x140  }
0x132: {  	[sflag:s25] =	ssyncset.done $0x0  }
0x133: {  	[sflag:s25] =	ssyncadd.s32 $0xFFFFFEC0  }
0x134: {  	_ =	swait.ge [sflag:s26], $0x140  }
0x135: {  	[sflag:s26] =	ssyncset.done $0x0  }
0x136: {  	[sflag:s26] =	ssyncadd.s32 $0xFFFFFEC0  }
0x137: {  	_ =	swait.ge [sflag:s26], $0x25D0  }
0x138: {  	[sflag:s26] =	ssyncset.done $0x0  }
0x139: {  	[sflag:s26] =	ssyncadd.s32 $0xFFFFDA30  }
0x13a: {  	_ =	swait.ge [sflag:s26], $0x25D0  }
0x13b: {  	[sflag:s26] =	ssyncset.done $0x0  }
0x13c: {  	[sflag:s26] =	ssyncadd.s32 $0xFFFFDA30  }
0x13d: {  	[spmem:s11] =	stream.indirect.scatter.add.f32 [tilespmem:s21], [sflag:$0x6], $0x1, s20, s19, $0xb8;
	[tilespmem:$0xC7F8] =	vst v63  }
0x13e: {  	_ =	swait.ge [sflag:s28], $0x140  }
0x13f: {  	[sflag:s28] =	ssyncset.done $0x0  }
0x140: {  	s0 =	simm.s32 $0x0;
	s1 =	rddreg [dreg:$0x13];
	[sflag:s28] =	ssyncadd.s32 $0xFFFFFEC0  }
0x141: {  	[tilespmem:s0], [sflag:$0x3] =	stream.linear.gather [hbm4b:s1+s0], $0x140, $0x38;
	[tilespmem:$0xC7F8] =	vst v63  }
0x142: {  	s2 =	simm.s32 $0x6;
	s4 =	rddreg [dreg:$0x14]  }
0x143: {  	v3 =	vadd.s32 s0, v1;
	[tilespmem:s14], [sflag:$0x1] =	stream.linear.gather [hbm4b:s4+s0], $0x140, $0x38;
	[tilespmem:$0xC7F8] =	vst v63  }
0x144: {  	v4 =	vadd.s32 s2, v1;
	s31 =	rddreg [dreg:$0x15]  }
0x145: {  	[tilespmem:s15], [sflag:$0x1] =	stream.linear.gather [hbm4b:s31+s0], $0x25D0, $0x38;
	[tilespmem:$0xC7F8] =	vst v63  }
0x146: {  	s2 =	simm.s32 $0x3;
	s3 =	rddreg [dreg:$0x16]  }
0x147: {  	v9 =	vadd.s32 s2, v1;
	[tilespmem:s16], [sflag:$0x1] =	stream.linear.gather [hbm4b:s3+s0], $0x25D0, $0x38;
	[tilespmem:$0xC7F8] =	vst v63  }
0x148: {  	s4 =	simm.s32 $0x1;
	v2 =	vld.idx.msk [tilespmem:v3+s22+$0x0], $0xffff  }
0x149: {  	v6 =	vadd.s32 s4, v1;
	v12 =	vld.idx.msk [tilespmem:v4+s23+$0x0], $0xffff  }
0x14a: {  	s4 =	simm.s32 $0x4;
	v3 =	vld.idx.msk [tilespmem:v3+s23+$0x0], $0xffff  }
0x14b: {  	v16 =	vadd.s32 s4, v1;
	v13 =	vld.idx.msk [tilespmem:v4+s22+$0x0], $0xffff  }
0x14c: {  	s31 =	simm.s32 $0x7;
	v17 =	vld.idx.msk [tilespmem:v9+s23+$0x0], $0xffff  }
0x14d: {  	v8 =	vadd.s32 s31, v1;
	v18 =	vld.idx.msk [tilespmem:v9+s22+$0x0], $0xffff  }
0x14e: {  	s31 =	simm.s32 $0x2;
	v5 =	vld.idx.msk [tilespmem:v6+s23+$0x0], $0xffff  }
0x14f: {  	v11 =	vadd.s32 s31, v1;
	v7 =	vld.idx.msk [tilespmem:v6+s22+$0x0], $0xffff  }
0x150: {  	s3 =	simm.s32 $0x5;
	v6 =	vld.idx.msk [tilespmem:v16+s23+$0x0], $0xffff  }
0x151: {  	v14 =	vadd.s32 s3, v1;
	v9 =	vld.idx.msk [tilespmem:v16+s22+$0x0], $0xffff  }
0x152: {  	v19 =	vld.idx.msk [tilespmem:v8+s22+$0x0], $0xffff  }
0x153: {  	v15 =	vld.idx.msk [tilespmem:v8+s23+$0x0], $0xffff  }
0x154: {  	v10 =	vld.idx.msk [tilespmem:v11+s22+$0x0], $0xffff  }
0x155: {  	v11 =	vld.idx.msk [tilespmem:v11+s23+$0x0], $0xffff  }
0x156: {  	v4 =	vld.idx.msk [tilespmem:v14+s23+$0x0], $0xffff  }
0x157: {  	v8 =	vld.idx.msk [tilespmem:v14+s22+$0x0], $0xffff  }
0x158: {  	[tilespmem:v18+s24+$0x0] =	vst.idx.add.f32.msk $0xffff, v17  }
0x159: {  	[tilespmem:v13+s24+$0x0] =	vst.idx.add.f32.msk $0xffff, v12  }
0x15a: {  	s0 =	simm.s32 $0x8;
	[tilespmem:v19+s24+$0x0] =	vst.idx.add.f32.msk $0xffff, v15  }
.LBB2_16:
0x15b: {  	s1 =	sadd.s32 $0x1, s0  }
0x15c: {  	v12 =	vadd.s32 s0, v1;
	s2 =	sadd.s32 $0x6, s0;
	s3 =	sadd.s32 $0x7, s0;
	[tilespmem:v7+s24+$0x0] =	vst.idx.add.f32.msk $0xffff, v5;
	s4 =	smov.u32 s0  }
0x15d: {  	p1 =	slt.u32 s0, $0x250;
	s0 =	sadd.s32 $0x8, s0;
	v7 =	vadd.s32 s1, v1;
	s1 =	sadd.s32 $0x2, s4;
	v5 =	vadd.s32 s2, v1;
	v13 =	vadd.s32 s3, v1;
	[tilespmem:v10+s24+$0x0] =	vst.idx.add.f32.msk $0xffff, v11  }
0x15e: {  	v11 =	vadd.s32 s1, v1;
	s1 =	sadd.s32 $0x3, s4;
	[tilespmem:v2+s24+$0x0] =	vst.idx.add.f32.msk $0xffff, v3  }
0x15f: {  	v10 =	vadd.s32 s1, v1;
	s1 =	sadd.s32 $0x4, s4;
	[tilespmem:v9+s24+$0x0] =	vst.idx.add.f32.msk $0xffff, v6  }
0x160: {  	v9 =	vadd.s32 s1, v1;
	s1 =	sadd.s32 $0x5, s4;
	[tilespmem:v8+s24+$0x0] =	vst.idx.add.f32.msk $0xffff, v4  }
0x161: {  	v2 =	vld.idx.msk [tilespmem:v12+s22+$0x0], $0xffff;
	v8 =	vadd.s32 s1, v1  }
0x162: {  	v14 =	vld.idx.msk [tilespmem:v5+s23+$0x0], $0xffff  }
0x163: {  	v3 =	vld.idx.msk [tilespmem:v12+s23+$0x0], $0xffff  }
0x164: {  	v12 =	vld.idx.msk [tilespmem:v5+s22+$0x0], $0xffff  }
0x165: {  	v5 =	vld.idx.msk [tilespmem:v7+s23+$0x0], $0xffff  }
0x166: {  	v15 =	vld.idx.msk [tilespmem:v13+s23+$0x0], $0xffff  }
0x167: {  	v7 =	vld.idx.msk [tilespmem:v7+s22+$0x0], $0xffff  }
0x168: {  	v16 =	vld.idx.msk [tilespmem:v10+s23+$0x0], $0xffff  }
0x169: {  	v17 =	vld.idx.msk [tilespmem:v10+s22+$0x0], $0xffff  }
0x16a: {  	v4 =	vld.idx.msk [tilespmem:v8+s23+$0x0], $0xffff  }
0x16b: {  	v13 =	vld.idx.msk [tilespmem:v13+s22+$0x0], $0xffff  }
0x16c: {  	v6 =	vld.idx.msk [tilespmem:v9+s23+$0x0], $0xffff  }
0x16d: {  	v10 =	vld.idx.msk [tilespmem:v11+s22+$0x0], $0xffff  }
0x16e: {  	v11 =	vld.idx.msk [tilespmem:v11+s23+$0x0], $0xffff  }
.Ltmp7:
0x16f: {  	v9 =	vld.idx.msk [tilespmem:v9+s22+$0x0], $0xffff;
	(pc) =	sbr.rel @p1 .LBB2_16-.Ltmp7, $4  }
0x170: {  	v8 =	vld.idx.msk [tilespmem:v8+s22+$0x0], $0xffff  }
0x171: {  	[tilespmem:v17+s24+$0x0] =	vst.idx.add.f32.msk $0xffff, v16  }
0x172: {  	[tilespmem:v12+s24+$0x0] =	vst.idx.add.f32.msk $0xffff, v14  }
0x173: {  	s31 =	simm.s32 $0x258;
	[tilespmem:v13+s24+$0x0] =	vst.idx.add.f32.msk $0xffff, v15  }
0x174: {  	_ =	sdelay $0x3  }
0x175: {  	[tilespmem:v7+s24+$0x0] =	vst.idx.add.f32.msk $0xffff, v5  }
0x176: {  	[tilespmem:v10+s24+$0x0] =	vst.idx.add.f32.msk $0xffff, v11  }
0x177: {  	[tilespmem:v2+s24+$0x0] =	vst.idx.add.f32.msk $0xffff, v3  }
0x178: {  	[tilespmem:v9+s24+$0x0] =	vst.idx.add.f32.msk $0xffff, v6  }
0x179: {  	[tilespmem:v8+s24+$0x0] =	vst.idx.add.f32.msk $0xffff, v4  }
.LBB2_18:
0x17a: {  	v2 =	vadd.s32 s31, v1;
	_ =	sdelay $0x4  }
0x17b: {  	v3 =	vld.idx.msk [tilespmem:v2+s22+$0x0], $0xffff;
	_ =	sdelay $0x2  }
0x17c: {  	p1 =	sne.s32 s31, $0x25C;
	v2 =	vld.idx.msk [tilespmem:v2+s23+$0x0], $0xffff  }
.Ltmp8:
0x17d: {  	_ = 	snop;
	(pc) =	sbr.rel @p1 .LBB2_18-.Ltmp8, $2  }
0x17e: {  	_ =	sdelay $0x2  }
0x17f: {  	s31 =	sadd.s32 $0x1, s31;
	[tilespmem:v3+s24+$0x0] =	vst.idx.add.f32.msk $0xffff, v2  }
0x180: {  	_ =	swait.ge [sflag:s17], $0x140  }
0x181: {  	[sflag:s17] =	ssyncset.done $0x0  }
0x182: {  	[sflag:s17] =	ssyncadd.s32 $0xFFFFFEC0  }
0x183: {  	_ =	swait.ge [sflag:s18], $0x140  }
0x184: {  	[sflag:s18] =	ssyncset.done $0x0  }
0x185: {  	[sflag:s18] =	ssyncadd.s32 $0xFFFFFEC0  }
0x186: {  	_ =	swait.ge [sflag:s18], $0x25D0  }
0x187: {  	[sflag:s18] =	ssyncset.done $0x0  }
0x188: {  	[sflag:s18] =	ssyncadd.s32 $0xFFFFDA30  }
0x189: {  	_ =	swait.ge [sflag:s18], $0x25D0  }
0x18a: {  	[sflag:s18] =	ssyncset.done $0x0  }
0x18b: {  	s0 =	simm.s32 $0x0;
	[sflag:s18] =	ssyncadd.s32 $0xFFFFDA30  }
0x18c: {  	[spmem:s11] =	stream.indirect.scatter.add.f32 [tilespmem:s14], [sflag:$0x5], $0x1, s0, s19, $0xb8;
	[tilespmem:$0xC7F8] =	vst v63  }
0x18d: {  	_ =	swait.ge [sflag:s29], $0x140  }
0x18e: {  	[sflag:s29] =	ssyncset.done $0x0  }
0x18f: {  	s1 =	rddreg [dreg:$0x17];
	[sflag:s29] =	ssyncadd.s32 $0xFFFFFEC0  }
0x190: {  	[tilespmem:s20], [sflag:$0x4] =	stream.linear.gather [hbm4b:s1+s0], $0x140, $0x38;
	[tilespmem:$0xC7F8] =	vst v63  }
0x191: {  	s2 =	simm.s32 $0x6;
	s4 =	rddreg [dreg:$0x18]  }
0x192: {  	v3 =	vadd.s32 s0, v1;
	[tilespmem:s21], [sflag:$0x2] =	stream.linear.gather [hbm4b:s4+s0], $0x140, $0x38;
	[tilespmem:$0xC7F8] =	vst v63  }
0x193: {  	v4 =	vadd.s32 s2, v1;
	s31 =	rddreg [dreg:$0x19]  }
0x194: {  	[tilespmem:s22], [sflag:$0x2] =	stream.linear.gather [hbm4b:s31+s0], $0x25D0, $0x38;
	[tilespmem:$0xC7F8] =	vst v63  }
0x195: {  	s2 =	simm.s32 $0x3;
	s3 =	rddreg [dreg:$0x1a]  }
0x196: {  	v9 =	vadd.s32 s2, v1;
	[tilespmem:s23], [sflag:$0x2] =	stream.linear.gather [hbm4b:s3+s0], $0x25D0, $0x38;
	[tilespmem:$0xC7F8] =	vst v63  }
0x197: {  	s4 =	simm.s32 $0x1;
	v2 =	vld.idx.msk [tilespmem:v3+s15+$0x0], $0xffff  }
0x198: {  	v6 =	vadd.s32 s4, v1;
	v12 =	vld.idx.msk [tilespmem:v4+s16+$0x0], $0xffff  }
0x199: {  	s4 =	simm.s32 $0x4;
	v3 =	vld.idx.msk [tilespmem:v3+s16+$0x0], $0xffff  }
0x19a: {  	v16 =	vadd.s32 s4, v1;
	v13 =	vld.idx.msk [tilespmem:v4+s15+$0x0], $0xffff  }
0x19b: {  	s31 =	simm.s32 $0x7;
	v17 =	vld.idx.msk [tilespmem:v9+s16+$0x0], $0xffff  }
0x19c: {  	v8 =	vadd.s32 s31, v1;
	v18 =	vld.idx.msk [tilespmem:v9+s15+$0x0], $0xffff  }
0x19d: {  	s31 =	simm.s32 $0x2;
	v5 =	vld.idx.msk [tilespmem:v6+s16+$0x0], $0xffff  }
0x19e: {  	v11 =	vadd.s32 s31, v1;
	v7 =	vld.idx.msk [tilespmem:v6+s15+$0x0], $0xffff  }
0x19f: {  	s3 =	simm.s32 $0x5;
	v6 =	vld.idx.msk [tilespmem:v16+s16+$0x0], $0xffff  }
0x1a0: {  	v14 =	vadd.s32 s3, v1;
	v9 =	vld.idx.msk [tilespmem:v16+s15+$0x0], $0xffff  }
0x1a1: {  	v19 =	vld.idx.msk [tilespmem:v8+s15+$0x0], $0xffff  }
0x1a2: {  	v15 =	vld.idx.msk [tilespmem:v8+s16+$0x0], $0xffff  }
0x1a3: {  	v10 =	vld.idx.msk [tilespmem:v11+s15+$0x0], $0xffff  }
0x1a4: {  	v11 =	vld.idx.msk [tilespmem:v11+s16+$0x0], $0xffff  }
0x1a5: {  	v4 =	vld.idx.msk [tilespmem:v14+s16+$0x0], $0xffff  }
0x1a6: {  	v8 =	vld.idx.msk [tilespmem:v14+s15+$0x0], $0xffff  }
0x1a7: {  	[tilespmem:v18+s24+$0x0] =	vst.idx.add.f32.msk $0xffff, v17  }
0x1a8: {  	[tilespmem:v13+s24+$0x0] =	vst.idx.add.f32.msk $0xffff, v12  }
0x1a9: {  	s0 =	simm.s32 $0x8;
	[tilespmem:v19+s24+$0x0] =	vst.idx.add.f32.msk $0xffff, v15  }
.LBB2_20:
0x1aa: {  	s1 =	sadd.s32 $0x1, s0  }
0x1ab: {  	v12 =	vadd.s32 s0, v1;
	s2 =	sadd.s32 $0x6, s0;
	s3 =	sadd.s32 $0x7, s0;
	[tilespmem:v7+s24+$0x0] =	vst.idx.add.f32.msk $0xffff, v5;
	s4 =	smov.u32 s0  }
0x1ac: {  	p1 =	slt.u32 s0, $0x250;
	s0 =	sadd.s32 $0x8, s0;
	v7 =	vadd.s32 s1, v1;
	s1 =	sadd.s32 $0x2, s4;
	v5 =	vadd.s32 s2, v1;
	v13 =	vadd.s32 s3, v1;
	[tilespmem:v10+s24+$0x0] =	vst.idx.add.f32.msk $0xffff, v11  }
0x1ad: {  	v11 =	vadd.s32 s1, v1;
	s1 =	sadd.s32 $0x3, s4;
	[tilespmem:v2+s24+$0x0] =	vst.idx.add.f32.msk $0xffff, v3  }
0x1ae: {  	v10 =	vadd.s32 s1, v1;
	s1 =	sadd.s32 $0x4, s4;
	[tilespmem:v9+s24+$0x0] =	vst.idx.add.f32.msk $0xffff, v6  }
0x1af: {  	v9 =	vadd.s32 s1, v1;
	s1 =	sadd.s32 $0x5, s4;
	[tilespmem:v8+s24+$0x0] =	vst.idx.add.f32.msk $0xffff, v4  }
0x1b0: {  	v2 =	vld.idx.msk [tilespmem:v12+s15+$0x0], $0xffff;
	v8 =	vadd.s32 s1, v1  }
0x1b1: {  	v14 =	vld.idx.msk [tilespmem:v5+s16+$0x0], $0xffff  }
0x1b2: {  	v3 =	vld.idx.msk [tilespmem:v12+s16+$0x0], $0xffff  }
0x1b3: {  	v12 =	vld.idx.msk [tilespmem:v5+s15+$0x0], $0xffff  }
0x1b4: {  	v5 =	vld.idx.msk [tilespmem:v7+s16+$0x0], $0xffff  }
0x1b5: {  	v15 =	vld.idx.msk [tilespmem:v13+s16+$0x0], $0xffff  }
0x1b6: {  	v7 =	vld.idx.msk [tilespmem:v7+s15+$0x0], $0xffff  }
0x1b7: {  	v16 =	vld.idx.msk [tilespmem:v10+s16+$0x0], $0xffff  }
0x1b8: {  	v17 =	vld.idx.msk [tilespmem:v10+s15+$0x0], $0xffff  }
0x1b9: {  	v4 =	vld.idx.msk [tilespmem:v8+s16+$0x0], $0xffff  }
0x1ba: {  	v13 =	vld.idx.msk [tilespmem:v13+s15+$0x0], $0xffff  }
0x1bb: {  	v6 =	vld.idx.msk [tilespmem:v9+s16+$0x0], $0xffff  }
0x1bc: {  	v10 =	vld.idx.msk [tilespmem:v11+s15+$0x0], $0xffff  }
0x1bd: {  	v11 =	vld.idx.msk [tilespmem:v11+s16+$0x0], $0xffff  }
.Ltmp9:
0x1be: {  	v9 =	vld.idx.msk [tilespmem:v9+s15+$0x0], $0xffff;
	(pc) =	sbr.rel @p1 .LBB2_20-.Ltmp9, $4  }
0x1bf: {  	v8 =	vld.idx.msk [tilespmem:v8+s15+$0x0], $0xffff  }
0x1c0: {  	[tilespmem:v17+s24+$0x0] =	vst.idx.add.f32.msk $0xffff, v16  }
0x1c1: {  	[tilespmem:v12+s24+$0x0] =	vst.idx.add.f32.msk $0xffff, v14  }
0x1c2: {  	s31 =	simm.s32 $0x258;
	[tilespmem:v13+s24+$0x0] =	vst.idx.add.f32.msk $0xffff, v15  }
0x1c3: {  	_ =	sdelay $0x3  }
0x1c4: {  	[tilespmem:v7+s24+$0x0] =	vst.idx.add.f32.msk $0xffff, v5  }
0x1c5: {  	[tilespmem:v10+s24+$0x0] =	vst.idx.add.f32.msk $0xffff, v11  }
0x1c6: {  	[tilespmem:v2+s24+$0x0] =	vst.idx.add.f32.msk $0xffff, v3  }
0x1c7: {  	[tilespmem:v9+s24+$0x0] =	vst.idx.add.f32.msk $0xffff, v6  }
0x1c8: {  	[tilespmem:v8+s24+$0x0] =	vst.idx.add.f32.msk $0xffff, v4  }
.LBB2_22:
0x1c9: {  	v2 =	vadd.s32 s31, v1;
	_ =	sdelay $0x4  }
0x1ca: {  	v3 =	vld.idx.msk [tilespmem:v2+s15+$0x0], $0xffff;
	_ =	sdelay $0x2  }
0x1cb: {  	p1 =	sne.s32 s31, $0x25C;
	v2 =	vld.idx.msk [tilespmem:v2+s16+$0x0], $0xffff  }
.Ltmp10:
0x1cc: {  	_ = 	snop;
	(pc) =	sbr.rel @p1 .LBB2_22-.Ltmp10, $2  }
0x1cd: {  	_ =	sdelay $0x2  }
0x1ce: {  	s31 =	sadd.s32 $0x1, s31;
	[tilespmem:v3+s24+$0x0] =	vst.idx.add.f32.msk $0xffff, v2  }
0x1cf: {  	_ =	swait.ge [sflag:s25], $0x140  }
0x1d0: {  	[sflag:s25] =	ssyncset.done $0x0  }
0x1d1: {  	[sflag:s25] =	ssyncadd.s32 $0xFFFFFEC0  }
0x1d2: {  	_ =	swait.ge [sflag:s26], $0x140  }
0x1d3: {  	[sflag:s26] =	ssyncset.done $0x0  }
0x1d4: {  	[sflag:s26] =	ssyncadd.s32 $0xFFFFFEC0  }
0x1d5: {  	_ =	swait.ge [sflag:s26], $0x25D0  }
0x1d6: {  	[sflag:s26] =	ssyncset.done $0x0  }
0x1d7: {  	[sflag:s26] =	ssyncadd.s32 $0xFFFFDA30  }
0x1d8: {  	_ =	swait.ge [sflag:s26], $0x25D0  }
0x1d9: {  	[sflag:s26] =	ssyncset.done $0x0  }
0x1da: {  	[sflag:s26] =	ssyncadd.s32 $0xFFFFDA30  }
0x1db: {  	[spmem:s11] =	stream.indirect.scatter.add.f32 [tilespmem:s21], [sflag:$0x6], $0x1, s20, s19, $0xb8;
	[tilespmem:$0xC7F8] =	vst v63  }
0x1dc: {  	_ =	swait.ge [sflag:s28], $0x140  }
0x1dd: {  	[sflag:s28] =	ssyncset.done $0x0  }
0x1de: {  	s0 =	simm.s32 $0x0;
	s1 =	rddreg [dreg:$0x1b];
	[sflag:s28] =	ssyncadd.s32 $0xFFFFFEC0  }
0x1df: {  	[tilespmem:s0], [sflag:$0x3] =	stream.linear.gather [hbm4b:s1+s0], $0x140, $0x38;
	[tilespmem:$0xC7F8] =	vst v63  }
0x1e0: {  	s2 =	simm.s32 $0x6;
	s4 =	rddreg [dreg:$0x1c]  }
0x1e1: {  	v3 =	vadd.s32 s0, v1;
	[tilespmem:s14], [sflag:$0x1] =	stream.linear.gather [hbm4b:s4+s0], $0x140, $0x38;
	[tilespmem:$0xC7F8] =	vst v63  }
0x1e2: {  	v4 =	vadd.s32 s2, v1;
	s31 =	rddreg [dreg:$0x1d]  }
0x1e3: {  	[tilespmem:s15], [sflag:$0x1] =	stream.linear.gather [hbm4b:s31+s0], $0x25D0, $0x38;
	[tilespmem:$0xC7F8] =	vst v63  }
0x1e4: {  	s2 =	simm.s32 $0x3;
	s3 =	rddreg [dreg:$0x1e]  }
0x1e5: {  	v9 =	vadd.s32 s2, v1;
	[tilespmem:s16], [sflag:$0x1] =	stream.linear.gather [hbm4b:s3+s0], $0x25D0, $0x38;
	[tilespmem:$0xC7F8] =	vst v63  }
0x1e6: {  	s4 =	simm.s32 $0x1;
	v2 =	vld.idx.msk [tilespmem:v3+s22+$0x0], $0xffff  }
0x1e7: {  	v6 =	vadd.s32 s4, v1;
	v12 =	vld.idx.msk [tilespmem:v4+s23+$0x0], $0xffff  }
0x1e8: {  	s4 =	simm.s32 $0x4;
	v3 =	vld.idx.msk [tilespmem:v3+s23+$0x0], $0xffff  }
0x1e9: {  	v16 =	vadd.s32 s4, v1;
	v13 =	vld.idx.msk [tilespmem:v4+s22+$0x0], $0xffff  }
0x1ea: {  	s31 =	simm.s32 $0x7;
	v17 =	vld.idx.msk [tilespmem:v9+s23+$0x0], $0xffff  }
0x1eb: {  	v8 =	vadd.s32 s31, v1;
	v18 =	vld.idx.msk [tilespmem:v9+s22+$0x0], $0xffff  }
0x1ec: {  	s31 =	simm.s32 $0x2;
	v5 =	vld.idx.msk [tilespmem:v6+s23+$0x0], $0xffff  }
0x1ed: {  	v11 =	vadd.s32 s31, v1;
	v7 =	vld.idx.msk [tilespmem:v6+s22+$0x0], $0xffff  }
0x1ee: {  	s3 =	simm.s32 $0x5;
	v6 =	vld.idx.msk [tilespmem:v16+s23+$0x0], $0xffff  }
0x1ef: {  	v14 =	vadd.s32 s3, v1;
	v9 =	vld.idx.msk [tilespmem:v16+s22+$0x0], $0xffff  }
0x1f0: {  	v19 =	vld.idx.msk [tilespmem:v8+s22+$0x0], $0xffff  }
0x1f1: {  	v15 =	vld.idx.msk [tilespmem:v8+s23+$0x0], $0xffff  }
0x1f2: {  	v10 =	vld.idx.msk [tilespmem:v11+s22+$0x0], $0xffff  }
0x1f3: {  	v11 =	vld.idx.msk [tilespmem:v11+s23+$0x0], $0xffff  }
0x1f4: {  	v4 =	vld.idx.msk [tilespmem:v14+s23+$0x0], $0xffff  }
0x1f5: {  	v8 =	vld.idx.msk [tilespmem:v14+s22+$0x0], $0xffff  }
0x1f6: {  	[tilespmem:v18+s24+$0x0] =	vst.idx.add.f32.msk $0xffff, v17  }
0x1f7: {  	[tilespmem:v13+s24+$0x0] =	vst.idx.add.f32.msk $0xffff, v12  }
0x1f8: {  	s0 =	simm.s32 $0x8;
	[tilespmem:v19+s24+$0x0] =	vst.idx.add.f32.msk $0xffff, v15  }
.LBB2_24:
0x1f9: {  	s1 =	sadd.s32 $0x1, s0  }
0x1fa: {  	v12 =	vadd.s32 s0, v1;
	s2 =	sadd.s32 $0x6, s0;
	s3 =	sadd.s32 $0x7, s0;
	[tilespmem:v7+s24+$0x0] =	vst.idx.add.f32.msk $0xffff, v5;
	s4 =	smov.u32 s0  }
0x1fb: {  	p1 =	slt.u32 s0, $0x250;
	s0 =	sadd.s32 $0x8, s0;
	v7 =	vadd.s32 s1, v1;
	s1 =	sadd.s32 $0x2, s4;
	v5 =	vadd.s32 s2, v1;
	v13 =	vadd.s32 s3, v1;
	[tilespmem:v10+s24+$0x0] =	vst.idx.add.f32.msk $0xffff, v11  }
0x1fc: {  	v11 =	vadd.s32 s1, v1;
	s1 =	sadd.s32 $0x3, s4;
	[tilespmem:v2+s24+$0x0] =	vst.idx.add.f32.msk $0xffff, v3  }
0x1fd: {  	v10 =	vadd.s32 s1, v1;
	s1 =	sadd.s32 $0x4, s4;
	[tilespmem:v9+s24+$0x0] =	vst.idx.add.f32.msk $0xffff, v6  }
0x1fe: {  	v9 =	vadd.s32 s1, v1;
	s1 =	sadd.s32 $0x5, s4;
	[tilespmem:v8+s24+$0x0] =	vst.idx.add.f32.msk $0xffff, v4  }
0x1ff: {  	v2 =	vld.idx.msk [tilespmem:v12+s22+$0x0], $0xffff;
	v8 =	vadd.s32 s1, v1  }
0x200: {  	v14 =	vld.idx.msk [tilespmem:v5+s23+$0x0], $0xffff  }
0x201: {  	v3 =	vld.idx.msk [tilespmem:v12+s23+$0x0], $0xffff  }
0x202: {  	v12 =	vld.idx.msk [tilespmem:v5+s22+$0x0], $0xffff  }
0x203: {  	v5 =	vld.idx.msk [tilespmem:v7+s23+$0x0], $0xffff  }
0x204: {  	v15 =	vld.idx.msk [tilespmem:v13+s23+$0x0], $0xffff  }
0x205: {  	v7 =	vld.idx.msk [tilespmem:v7+s22+$0x0], $0xffff  }
0x206: {  	v16 =	vld.idx.msk [tilespmem:v10+s23+$0x0], $0xffff  }
0x207: {  	v17 =	vld.idx.msk [tilespmem:v10+s22+$0x0], $0xffff  }
0x208: {  	v4 =	vld.idx.msk [tilespmem:v8+s23+$0x0], $0xffff  }
0x209: {  	v13 =	vld.idx.msk [tilespmem:v13+s22+$0x0], $0xffff  }
0x20a: {  	v6 =	vld.idx.msk [tilespmem:v9+s23+$0x0], $0xffff  }
0x20b: {  	v10 =	vld.idx.msk [tilespmem:v11+s22+$0x0], $0xffff  }
0x20c: {  	v11 =	vld.idx.msk [tilespmem:v11+s23+$0x0], $0xffff  }
.Ltmp11:
0x20d: {  	v9 =	vld.idx.msk [tilespmem:v9+s22+$0x0], $0xffff;
	(pc) =	sbr.rel @p1 .LBB2_24-.Ltmp11, $4  }
0x20e: {  	v8 =	vld.idx.msk [tilespmem:v8+s22+$0x0], $0xffff  }
0x20f: {  	[tilespmem:v17+s24+$0x0] =	vst.idx.add.f32.msk $0xffff, v16  }
0x210: {  	[tilespmem:v12+s24+$0x0] =	vst.idx.add.f32.msk $0xffff, v14  }
0x211: {  	s31 =	simm.s32 $0x258;
	[tilespmem:v13+s24+$0x0] =	vst.idx.add.f32.msk $0xffff, v15  }
0x212: {  	_ =	sdelay $0x3  }
0x213: {  	[tilespmem:v7+s24+$0x0] =	vst.idx.add.f32.msk $0xffff, v5  }
0x214: {  	[tilespmem:v10+s24+$0x0] =	vst.idx.add.f32.msk $0xffff, v11  }
0x215: {  	[tilespmem:v2+s24+$0x0] =	vst.idx.add.f32.msk $0xffff, v3  }
0x216: {  	[tilespmem:v9+s24+$0x0] =	vst.idx.add.f32.msk $0xffff, v6  }
0x217: {  	[tilespmem:v8+s24+$0x0] =	vst.idx.add.f32.msk $0xffff, v4  }
.LBB2_26:
0x218: {  	v2 =	vadd.s32 s31, v1;
	_ =	sdelay $0x4  }
0x219: {  	v3 =	vld.idx.msk [tilespmem:v2+s22+$0x0], $0xffff;
	_ =	sdelay $0x2  }
0x21a: {  	p1 =	sne.s32 s31, $0x25C;
	v2 =	vld.idx.msk [tilespmem:v2+s23+$0x0], $0xffff  }
.Ltmp12:
0x21b: {  	_ = 	snop;
	(pc) =	sbr.rel @p1 .LBB2_26-.Ltmp12, $2  }
0x21c: {  	_ =	sdelay $0x2  }
0x21d: {  	s31 =	sadd.s32 $0x1, s31;
	[tilespmem:v3+s24+$0x0] =	vst.idx.add.f32.msk $0xffff, v2  }
0x21e: {  	_ =	swait.ge [sflag:s17], $0x140  }
0x21f: {  	[sflag:s17] =	ssyncset.done $0x0  }
0x220: {  	[sflag:s17] =	ssyncadd.s32 $0xFFFFFEC0  }
0x221: {  	_ =	swait.ge [sflag:s18], $0x140  }
0x222: {  	[sflag:s18] =	ssyncset.done $0x0  }
0x223: {  	[sflag:s18] =	ssyncadd.s32 $0xFFFFFEC0  }
0x224: {  	_ =	swait.ge [sflag:s18], $0x25D0  }
0x225: {  	[sflag:s18] =	ssyncset.done $0x0  }
0x226: {  	[sflag:s18] =	ssyncadd.s32 $0xFFFFDA30  }
0x227: {  	_ =	swait.ge [sflag:s18], $0x25D0  }
0x228: {  	[sflag:s18] =	ssyncset.done $0x0  }
0x229: {  	s0 =	simm.s32 $0x0;
	[sflag:s18] =	ssyncadd.s32 $0xFFFFDA30  }
0x22a: {  	[spmem:s11] =	stream.indirect.scatter.add.f32 [tilespmem:s14], [sflag:$0x5], $0x1, s0, s19, $0xb8;
	[tilespmem:$0xC7F8] =	vst v63  }
0x22b: {  	_ =	swait.ge [sflag:s29], $0x140  }
0x22c: {  	[sflag:s29] =	ssyncset.done $0x0;
	s1 =	rddreg [dreg:$0x1f]  }
0x22d: {  	s4 =	sld [smem:$0x7F5];
	[sflag:s29] =	ssyncadd.s32 $0xFFFFFEC0  }
0x22e: {  	[tilespmem:s20], [sflag:$0x4] =	stream.linear.gather [hbm4b:s1+s0], $0x140, $0x38;
	[tilespmem:$0xC7F8] =	vst v63  }
0x22f: {  	s2 =	simm.s32 $0x6;
	s31 =	sld [smem:$0x7F6]  }
0x230: {  	v3 =	vadd.s32 s0, v1;
	[tilespmem:s21], [sflag:$0x2] =	stream.linear.gather [hbm4b:s4+s0], $0x140, $0x38;
	[tilespmem:$0xC7F8] =	vst v63  }
0x231: {  	v4 =	vadd.s32 s2, v1;
	s3 =	sld [smem:$0x7F7]  }
0x232: {  	[tilespmem:s22], [sflag:$0x2] =	stream.linear.gather [hbm4b:s31+s0], $0x25D0, $0x38;
	[tilespmem:$0xC7F8] =	vst v63  }
0x233: {  	s2 =	simm.s32 $0x3  }
0x234: {  	v9 =	vadd.s32 s2, v1;
	[tilespmem:s23], [sflag:$0x2] =	stream.linear.gather [hbm4b:s3+s0], $0x25D0, $0x38;
	[tilespmem:$0xC7F8] =	vst v63  }
0x235: {  	s4 =	simm.s32 $0x1;
	v2 =	vld.idx.msk [tilespmem:v3+s15+$0x0], $0xffff  }
0x236: {  	v6 =	vadd.s32 s4, v1;
	v12 =	vld.idx.msk [tilespmem:v4+s16+$0x0], $0xffff  }
0x237: {  	s4 =	simm.s32 $0x4;
	v3 =	vld.idx.msk [tilespmem:v3+s16+$0x0], $0xffff  }
0x238: {  	v16 =	vadd.s32 s4, v1;
	v13 =	vld.idx.msk [tilespmem:v4+s15+$0x0], $0xffff  }
0x239: {  	s31 =	simm.s32 $0x7;
	v17 =	vld.idx.msk [tilespmem:v9+s16+$0x0], $0xffff  }
0x23a: {  	v8 =	vadd.s32 s31, v1;
	v18 =	vld.idx.msk [tilespmem:v9+s15+$0x0], $0xffff  }
0x23b: {  	s31 =	simm.s32 $0x2;
	v5 =	vld.idx.msk [tilespmem:v6+s16+$0x0], $0xffff  }
0x23c: {  	v11 =	vadd.s32 s31, v1;
	v7 =	vld.idx.msk [tilespmem:v6+s15+$0x0], $0xffff  }
0x23d: {  	s3 =	simm.s32 $0x5;
	v6 =	vld.idx.msk [tilespmem:v16+s16+$0x0], $0xffff  }
0x23e: {  	v14 =	vadd.s32 s3, v1;
	v9 =	vld.idx.msk [tilespmem:v16+s15+$0x0], $0xffff  }
0x23f: {  	v19 =	vld.idx.msk [tilespmem:v8+s15+$0x0], $0xffff  }
0x240: {  	v15 =	vld.idx.msk [tilespmem:v8+s16+$0x0], $0xffff  }
0x241: {  	v10 =	vld.idx.msk [tilespmem:v11+s15+$0x0], $0xffff  }
0x242: {  	v11 =	vld.idx.msk [tilespmem:v11+s16+$0x0], $0xffff  }
0x243: {  	v4 =	vld.idx.msk [tilespmem:v14+s16+$0x0], $0xffff  }
0x244: {  	v8 =	vld.idx.msk [tilespmem:v14+s15+$0x0], $0xffff  }
0x245: {  	[tilespmem:v18+s24+$0x0] =	vst.idx.add.f32.msk $0xffff, v17  }
0x246: {  	[tilespmem:v13+s24+$0x0] =	vst.idx.add.f32.msk $0xffff, v12  }
0x247: {  	s0 =	simm.s32 $0x8;
	[tilespmem:v19+s24+$0x0] =	vst.idx.add.f32.msk $0xffff, v15  }
.LBB2_28:
0x248: {  	s1 =	sadd.s32 $0x1, s0  }
0x249: {  	v12 =	vadd.s32 s0, v1;
	s2 =	sadd.s32 $0x6, s0;
	s3 =	sadd.s32 $0x7, s0;
	[tilespmem:v7+s24+$0x0] =	vst.idx.add.f32.msk $0xffff, v5;
	s4 =	smov.u32 s0  }
0x24a: {  	p1 =	slt.u32 s0, $0x250;
	s0 =	sadd.s32 $0x8, s0;
	v7 =	vadd.s32 s1, v1;
	s1 =	sadd.s32 $0x2, s4;
	v5 =	vadd.s32 s2, v1;
	v13 =	vadd.s32 s3, v1;
	[tilespmem:v10+s24+$0x0] =	vst.idx.add.f32.msk $0xffff, v11  }
0x24b: {  	v11 =	vadd.s32 s1, v1;
	s1 =	sadd.s32 $0x3, s4;
	[tilespmem:v2+s24+$0x0] =	vst.idx.add.f32.msk $0xffff, v3  }
0x24c: {  	v10 =	vadd.s32 s1, v1;
	s1 =	sadd.s32 $0x4, s4;
	[tilespmem:v9+s24+$0x0] =	vst.idx.add.f32.msk $0xffff, v6  }
0x24d: {  	v9 =	vadd.s32 s1, v1;
	s1 =	sadd.s32 $0x5, s4;
	[tilespmem:v8+s24+$0x0] =	vst.idx.add.f32.msk $0xffff, v4  }
0x24e: {  	v2 =	vld.idx.msk [tilespmem:v12+s15+$0x0], $0xffff;
	v8 =	vadd.s32 s1, v1  }
0x24f: {  	v14 =	vld.idx.msk [tilespmem:v5+s16+$0x0], $0xffff  }
0x250: {  	v3 =	vld.idx.msk [tilespmem:v12+s16+$0x0], $0xffff  }
0x251: {  	v12 =	vld.idx.msk [tilespmem:v5+s15+$0x0], $0xffff  }
0x252: {  	v5 =	vld.idx.msk [tilespmem:v7+s16+$0x0], $0xffff  }
0x253: {  	v15 =	vld.idx.msk [tilespmem:v13+s16+$0x0], $0xffff  }
0x254: {  	v7 =	vld.idx.msk [tilespmem:v7+s15+$0x0], $0xffff  }
0x255: {  	v16 =	vld.idx.msk [tilespmem:v10+s16+$0x0], $0xffff  }
0x256: {  	v17 =	vld.idx.msk [tilespmem:v10+s15+$0x0], $0xffff  }
0x257: {  	v4 =	vld.idx.msk [tilespmem:v8+s16+$0x0], $0xffff  }
0x258: {  	v13 =	vld.idx.msk [tilespmem:v13+s15+$0x0], $0xffff  }
0x259: {  	v6 =	vld.idx.msk [tilespmem:v9+s16+$0x0], $0xffff  }
0x25a: {  	v10 =	vld.idx.msk [tilespmem:v11+s15+$0x0], $0xffff  }
0x25b: {  	v11 =	vld.idx.msk [tilespmem:v11+s16+$0x0], $0xffff  }
.Ltmp13:
0x25c: {  	v9 =	vld.idx.msk [tilespmem:v9+s15+$0x0], $0xffff;
	(pc) =	sbr.rel @p1 .LBB2_28-.Ltmp13, $4  }
0x25d: {  	v8 =	vld.idx.msk [tilespmem:v8+s15+$0x0], $0xffff  }
0x25e: {  	[tilespmem:v17+s24+$0x0] =	vst.idx.add.f32.msk $0xffff, v16  }
0x25f: {  	[tilespmem:v12+s24+$0x0] =	vst.idx.add.f32.msk $0xffff, v14  }
0x260: {  	s31 =	simm.s32 $0x258;
	[tilespmem:v13+s24+$0x0] =	vst.idx.add.f32.msk $0xffff, v15  }
0x261: {  	_ =	sdelay $0x3  }
0x262: {  	[tilespmem:v7+s24+$0x0] =	vst.idx.add.f32.msk $0xffff, v5  }
0x263: {  	[tilespmem:v10+s24+$0x0] =	vst.idx.add.f32.msk $0xffff, v11  }
0x264: {  	[tilespmem:v2+s24+$0x0] =	vst.idx.add.f32.msk $0xffff, v3  }
0x265: {  	[tilespmem:v9+s24+$0x0] =	vst.idx.add.f32.msk $0xffff, v6  }
0x266: {  	[tilespmem:v8+s24+$0x0] =	vst.idx.add.f32.msk $0xffff, v4  }
.LBB2_30:
0x267: {  	v2 =	vadd.s32 s31, v1;
	_ =	sdelay $0x4  }
0x268: {  	v3 =	vld.idx.msk [tilespmem:v2+s15+$0x0], $0xffff;
	_ =	sdelay $0x2  }
0x269: {  	p1 =	sne.s32 s31, $0x25C;
	v2 =	vld.idx.msk [tilespmem:v2+s16+$0x0], $0xffff  }
.Ltmp14:
0x26a: {  	_ = 	snop;
	(pc) =	sbr.rel @p1 .LBB2_30-.Ltmp14, $2  }
0x26b: {  	_ =	sdelay $0x2  }
0x26c: {  	s31 =	sadd.s32 $0x1, s31;
	[tilespmem:v3+s24+$0x0] =	vst.idx.add.f32.msk $0xffff, v2  }
0x26d: {  	_ =	swait.ge [sflag:s25], $0x140  }
0x26e: {  	[sflag:s25] =	ssyncset.done $0x0  }
0x26f: {  	[sflag:s25] =	ssyncadd.s32 $0xFFFFFEC0  }
0x270: {  	_ =	swait.ge [sflag:s26], $0x140  }
0x271: {  	[sflag:s26] =	ssyncset.done $0x0  }
0x272: {  	[sflag:s26] =	ssyncadd.s32 $0xFFFFFEC0  }
0x273: {  	_ =	swait.ge [sflag:s26], $0x25D0  }
0x274: {  	[sflag:s26] =	ssyncset.done $0x0  }
0x275: {  	[sflag:s26] =	ssyncadd.s32 $0xFFFFDA30  }
0x276: {  	_ =	swait.ge [sflag:s26], $0x25D0  }
0x277: {  	[sflag:s26] =	ssyncset.done $0x0  }
0x278: {  	[sflag:s26] =	ssyncadd.s32 $0xFFFFDA30  }
0x279: {  	[spmem:s11] =	stream.indirect.scatter.add.f32 [tilespmem:s21], [sflag:$0x6], $0x1, s20, s19, $0xb8;
	[tilespmem:$0xC7F8] =	vst v63  }
0x27a: {  	_ =	swait.ge [sflag:s28], $0x140  }
0x27b: {  	s1 =	sld [smem:$0x7F8]  }
0x27c: {  	[sflag:s28] =	ssyncset.done $0x0  }
0x27d: {  	s0 =	simm.s32 $0x0;
	s4 =	sld [smem:$0x7F9];
	[sflag:s28] =	ssyncadd.s32 $0xFFFFFEC0  }
0x27e: {  	[tilespmem:s0], [sflag:$0x3] =	stream.linear.gather [hbm4b:s1+s0], $0x140, $0x38;
	[tilespmem:$0xC7F8] =	vst v63  }
0x27f: {  	s2 =	simm.s32 $0x6;
	s31 =	sld [smem:$0x7FA]  }
0x280: {  	v3 =	vadd.s32 s0, v1;
	[tilespmem:s14], [sflag:$0x1] =	stream.linear.gather [hbm4b:s4+s0], $0x140, $0x38;
	[tilespmem:$0xC7F8] =	vst v63  }
0x281: {  	v4 =	vadd.s32 s2, v1;
	s3 =	sld [smem:$0x7FB]  }
0x282: {  	[tilespmem:s15], [sflag:$0x1] =	stream.linear.gather [hbm4b:s31+s0], $0x25D0, $0x38;
	[tilespmem:$0xC7F8] =	vst v63  }
0x283: {  	s2 =	simm.s32 $0x3  }
0x284: {  	v9 =	vadd.s32 s2, v1;
	[tilespmem:s16], [sflag:$0x1] =	stream.linear.gather [hbm4b:s3+s0], $0x25D0, $0x38;
	[tilespmem:$0xC7F8] =	vst v63  }
0x285: {  	s4 =	simm.s32 $0x1;
	v2 =	vld.idx.msk [tilespmem:v3+s22+$0x0], $0xffff  }
0x286: {  	v6 =	vadd.s32 s4, v1;
	v12 =	vld.idx.msk [tilespmem:v4+s23+$0x0], $0xffff  }
0x287: {  	s4 =	simm.s32 $0x4;
	v3 =	vld.idx.msk [tilespmem:v3+s23+$0x0], $0xffff  }
0x288: {  	v16 =	vadd.s32 s4, v1;
	v13 =	vld.idx.msk [tilespmem:v4+s22+$0x0], $0xffff  }
0x289: {  	s31 =	simm.s32 $0x7;
	v17 =	vld.idx.msk [tilespmem:v9+s23+$0x0], $0xffff  }
0x28a: {  	v8 =	vadd.s32 s31, v1;
	v18 =	vld.idx.msk [tilespmem:v9+s22+$0x0], $0xffff  }
0x28b: {  	s31 =	simm.s32 $0x2;
	v5 =	vld.idx.msk [tilespmem:v6+s23+$0x0], $0xffff  }
0x28c: {  	v11 =	vadd.s32 s31, v1;
	v7 =	vld.idx.msk [tilespmem:v6+s22+$0x0], $0xffff  }
0x28d: {  	s3 =	simm.s32 $0x5;
	v6 =	vld.idx.msk [tilespmem:v16+s23+$0x0], $0xffff  }
0x28e: {  	v14 =	vadd.s32 s3, v1;
	v9 =	vld.idx.msk [tilespmem:v16+s22+$0x0], $0xffff  }
0x28f: {  	v19 =	vld.idx.msk [tilespmem:v8+s22+$0x0], $0xffff  }
0x290: {  	v15 =	vld.idx.msk [tilespmem:v8+s23+$0x0], $0xffff  }
0x291: {  	v10 =	vld.idx.msk [tilespmem:v11+s22+$0x0], $0xffff  }
0x292: {  	v11 =	vld.idx.msk [tilespmem:v11+s23+$0x0], $0xffff  }
0x293: {  	v4 =	vld.idx.msk [tilespmem:v14+s23+$0x0], $0xffff  }
0x294: {  	v8 =	vld.idx.msk [tilespmem:v14+s22+$0x0], $0xffff  }
0x295: {  	[tilespmem:v18+s24+$0x0] =	vst.idx.add.f32.msk $0xffff, v17  }
0x296: {  	[tilespmem:v13+s24+$0x0] =	vst.idx.add.f32.msk $0xffff, v12  }
0x297: {  	s0 =	simm.s32 $0x8;
	[tilespmem:v19+s24+$0x0] =	vst.idx.add.f32.msk $0xffff, v15  }
.LBB2_32:
0x298: {  	s1 =	sadd.s32 $0x1, s0  }
0x299: {  	v12 =	vadd.s32 s0, v1;
	s2 =	sadd.s32 $0x6, s0;
	s3 =	sadd.s32 $0x7, s0;
	[tilespmem:v7+s24+$0x0] =	vst.idx.add.f32.msk $0xffff, v5;
	s4 =	smov.u32 s0  }
0x29a: {  	p1 =	slt.u32 s0, $0x250;
	s0 =	sadd.s32 $0x8, s0;
	v7 =	vadd.s32 s1, v1;
	s1 =	sadd.s32 $0x2, s4;
	v5 =	vadd.s32 s2, v1;
	v13 =	vadd.s32 s3, v1;
	[tilespmem:v10+s24+$0x0] =	vst.idx.add.f32.msk $0xffff, v11  }
0x29b: {  	v11 =	vadd.s32 s1, v1;
	s1 =	sadd.s32 $0x3, s4;
	[tilespmem:v2+s24+$0x0] =	vst.idx.add.f32.msk $0xffff, v3  }
0x29c: {  	v10 =	vadd.s32 s1, v1;
	s1 =	sadd.s32 $0x4, s4;
	[tilespmem:v9+s24+$0x0] =	vst.idx.add.f32.msk $0xffff, v6  }
0x29d: {  	v9 =	vadd.s32 s1, v1;
	s1 =	sadd.s32 $0x5, s4;
	[tilespmem:v8+s24+$0x0] =	vst.idx.add.f32.msk $0xffff, v4  }
0x29e: {  	v2 =	vld.idx.msk [tilespmem:v12+s22+$0x0], $0xffff;
	v8 =	vadd.s32 s1, v1  }
0x29f: {  	v14 =	vld.idx.msk [tilespmem:v5+s23+$0x0], $0xffff  }
0x2a0: {  	v3 =	vld.idx.msk [tilespmem:v12+s23+$0x0], $0xffff  }
0x2a1: {  	v12 =	vld.idx.msk [tilespmem:v5+s22+$0x0], $0xffff  }
0x2a2: {  	v5 =	vld.idx.msk [tilespmem:v7+s23+$0x0], $0xffff  }
0x2a3: {  	v15 =	vld.idx.msk [tilespmem:v13+s23+$0x0], $0xffff  }
0x2a4: {  	v7 =	vld.idx.msk [tilespmem:v7+s22+$0x0], $0xffff  }
0x2a5: {  	v16 =	vld.idx.msk [tilespmem:v10+s23+$0x0], $0xffff  }
0x2a6: {  	v17 =	vld.idx.msk [tilespmem:v10+s22+$0x0], $0xffff  }
0x2a7: {  	v4 =	vld.idx.msk [tilespmem:v8+s23+$0x0], $0xffff  }
0x2a8: {  	v13 =	vld.idx.msk [tilespmem:v13+s22+$0x0], $0xffff  }
0x2a9: {  	v6 =	vld.idx.msk [tilespmem:v9+s23+$0x0], $0xffff  }
0x2aa: {  	v10 =	vld.idx.msk [tilespmem:v11+s22+$0x0], $0xffff  }
0x2ab: {  	v11 =	vld.idx.msk [tilespmem:v11+s23+$0x0], $0xffff  }
.Ltmp15:
0x2ac: {  	v9 =	vld.idx.msk [tilespmem:v9+s22+$0x0], $0xffff;
	(pc) =	sbr.rel @p1 .LBB2_32-.Ltmp15, $4  }
0x2ad: {  	v8 =	vld.idx.msk [tilespmem:v8+s22+$0x0], $0xffff  }
0x2ae: {  	[tilespmem:v17+s24+$0x0] =	vst.idx.add.f32.msk $0xffff, v16  }
0x2af: {  	[tilespmem:v12+s24+$0x0] =	vst.idx.add.f32.msk $0xffff, v14  }
0x2b0: {  	s31 =	simm.s32 $0x258;
	[tilespmem:v13+s24+$0x0] =	vst.idx.add.f32.msk $0xffff, v15  }
0x2b1: {  	_ =	sdelay $0x3  }
0x2b2: {  	[tilespmem:v7+s24+$0x0] =	vst.idx.add.f32.msk $0xffff, v5  }
0x2b3: {  	[tilespmem:v10+s24+$0x0] =	vst.idx.add.f32.msk $0xffff, v11  }
0x2b4: {  	[tilespmem:v2+s24+$0x0] =	vst.idx.add.f32.msk $0xffff, v3  }
0x2b5: {  	[tilespmem:v9+s24+$0x0] =	vst.idx.add.f32.msk $0xffff, v6  }
0x2b6: {  	[tilespmem:v8+s24+$0x0] =	vst.idx.add.f32.msk $0xffff, v4  }
.LBB2_34:
0x2b7: {  	v2 =	vadd.s32 s31, v1;
	_ =	sdelay $0x4  }
0x2b8: {  	v3 =	vld.idx.msk [tilespmem:v2+s22+$0x0], $0xffff;
	_ =	sdelay $0x2  }
0x2b9: {  	p1 =	sne.s32 s31, $0x25C;
	v2 =	vld.idx.msk [tilespmem:v2+s23+$0x0], $0xffff  }
.Ltmp16:
0x2ba: {  	_ = 	snop;
	(pc) =	sbr.rel @p1 .LBB2_34-.Ltmp16, $2  }
0x2bb: {  	_ =	sdelay $0x2  }
0x2bc: {  	s31 =	sadd.s32 $0x1, s31;
	[tilespmem:v3+s24+$0x0] =	vst.idx.add.f32.msk $0xffff, v2  }
0x2bd: {  	_ =	swait.ge [sflag:s17], $0x140  }
0x2be: {  	[sflag:s17] =	ssyncset.done $0x0  }
0x2bf: {  	[sflag:s17] =	ssyncadd.s32 $0xFFFFFEC0  }
0x2c0: {  	_ =	swait.ge [sflag:s18], $0x140  }
0x2c1: {  	[sflag:s18] =	ssyncset.done $0x0  }
0x2c2: {  	[sflag:s18] =	ssyncadd.s32 $0xFFFFFEC0  }
0x2c3: {  	_ =	swait.ge [sflag:s18], $0x25D0  }
0x2c4: {  	[sflag:s18] =	ssyncset.done $0x0  }
0x2c5: {  	[sflag:s18] =	ssyncadd.s32 $0xFFFFDA30  }
0x2c6: {  	_ =	swait.ge [sflag:s18], $0x25D0  }
0x2c7: {  	[sflag:s18] =	ssyncset.done $0x0  }
0x2c8: {  	s0 =	simm.s32 $0x0;
	[sflag:s18] =	ssyncadd.s32 $0xFFFFDA30  }
0x2c9: {  	[spmem:s11] =	stream.indirect.scatter.add.f32 [tilespmem:s14], [sflag:$0x5], $0x1, s0, s19, $0xb8;
	[tilespmem:$0xC7F8] =	vst v63  }
0x2ca: {  	_ =	swait.ge [sflag:s29], $0x140  }
0x2cb: {  	s1 =	sld [smem:$0x7FC]  }
0x2cc: {  	[sflag:s29] =	ssyncset.done $0x0  }
0x2cd: {  	s2 =	sld [smem:$0x7FD];
	[sflag:s29] =	ssyncadd.s32 $0xFFFFFEC0  }
0x2ce: {  	[tilespmem:s20], [sflag:$0x4] =	stream.linear.gather [hbm4b:s1+s0], $0x140, $0x38;
	[tilespmem:$0xC7F8] =	vst v63  }
0x2cf: {  	s3 =	simm.s32 $0x6  }
0x2d0: {  	v3 =	vadd.s32 s0, v1;
	[tilespmem:s21], [sflag:$0x2] =	stream.linear.gather [hbm4b:s2+s0], $0x140, $0x38;
	[tilespmem:$0xC7F8] =	vst v63  }
0x2d1: {  	v4 =	vadd.s32 s3, v1  }
0x2d2: {  	[tilespmem:s22], [sflag:$0x2] =	stream.linear.gather [hbm4b:s7+s0], $0x25D0, $0x38;
	[tilespmem:$0xC7F8] =	vst v63  }
0x2d3: {  	s4 =	simm.s32 $0x1;
	s31 =	simm.s32 $0x7  }
0x2d4: {  	v6 =	vadd.s32 s4, v1;
	[tilespmem:s23], [sflag:$0x2] =	stream.linear.gather [hbm4b:s8+s0], $0x25D0, $0x38;
	[tilespmem:$0xC7F8] =	vst v63  }
0x2d5: {  	v8 =	vadd.s32 s31, v1;
	v2 =	vld.idx.msk [tilespmem:v3+s15+$0x0], $0xffff  }
0x2d6: {  	s3 =	simm.s32 $0x5;
	v12 =	vld.idx.msk [tilespmem:v4+s16+$0x0], $0xffff  }
0x2d7: {  	v14 =	vadd.s32 s3, v1;
	v3 =	vld.idx.msk [tilespmem:v3+s16+$0x0], $0xffff  }
0x2d8: {  	s4 =	simm.s32 $0x4;
	v13 =	vld.idx.msk [tilespmem:v4+s15+$0x0], $0xffff  }
0x2d9: {  	v16 =	vadd.s32 s4, v1;
	s2 =	simm.s32 $0x3;
	v5 =	vld.idx.msk [tilespmem:v6+s16+$0x0], $0xffff  }
0x2da: {  	s31 =	simm.s32 $0x2;
	v9 =	vadd.s32 s2, v1;
	v15 =	vld.idx.msk [tilespmem:v8+s16+$0x0], $0xffff  }
0x2db: {  	v11 =	vadd.s32 s31, v1;
	v7 =	vld.idx.msk [tilespmem:v6+s15+$0x0], $0xffff  }
0x2dc: {  	v4 =	vld.idx.msk [tilespmem:v14+s16+$0x0], $0xffff  }
0x2dd: {  	v19 =	vld.idx.msk [tilespmem:v8+s15+$0x0], $0xffff  }
0x2de: {  	v6 =	vld.idx.msk [tilespmem:v16+s16+$0x0], $0xffff  }
0x2df: {  	v18 =	vld.idx.msk [tilespmem:v9+s15+$0x0], $0xffff  }
0x2e0: {  	v10 =	vld.idx.msk [tilespmem:v11+s15+$0x0], $0xffff  }
0x2e1: {  	v11 =	vld.idx.msk [tilespmem:v11+s16+$0x0], $0xffff  }
0x2e2: {  	v17 =	vld.idx.msk [tilespmem:v9+s16+$0x0], $0xffff  }
0x2e3: {  	v8 =	vld.idx.msk [tilespmem:v14+s15+$0x0], $0xffff  }
0x2e4: {  	v9 =	vld.idx.msk [tilespmem:v16+s15+$0x0], $0xffff  }
0x2e5: {  	[tilespmem:v13+s24+$0x0] =	vst.idx.add.f32.msk $0xffff, v12  }
0x2e6: {  	[tilespmem:v19+s24+$0x0] =	vst.idx.add.f32.msk $0xffff, v15  }
0x2e7: {  	s0 =	simm.s32 $0x8;
	[tilespmem:v18+s24+$0x0] =	vst.idx.add.f32.msk $0xffff, v17  }
.LBB2_36:
0x2e8: {  	s1 =	sadd.s32 $0x1, s0  }
0x2e9: {  	v12 =	vadd.s32 s0, v1;
	s2 =	sadd.s32 $0x6, s0;
	s3 =	sadd.s32 $0x7, s0;
	[tilespmem:v7+s24+$0x0] =	vst.idx.add.f32.msk $0xffff, v5;
	s4 =	smov.u32 s0  }
0x2ea: {  	p1 =	slt.u32 s0, $0x250;
	s0 =	sadd.s32 $0x8, s0;
	v7 =	vadd.s32 s1, v1;
	s1 =	sadd.s32 $0x2, s4;
	v5 =	vadd.s32 s2, v1;
	v13 =	vadd.s32 s3, v1;
	[tilespmem:v10+s24+$0x0] =	vst.idx.add.f32.msk $0xffff, v11  }
0x2eb: {  	v11 =	vadd.s32 s1, v1;
	s1 =	sadd.s32 $0x3, s4;
	[tilespmem:v2+s24+$0x0] =	vst.idx.add.f32.msk $0xffff, v3  }
0x2ec: {  	v10 =	vadd.s32 s1, v1;
	s1 =	sadd.s32 $0x4, s4;
	[tilespmem:v9+s24+$0x0] =	vst.idx.add.f32.msk $0xffff, v6  }
0x2ed: {  	v9 =	vadd.s32 s1, v1;
	s1 =	sadd.s32 $0x5, s4;
	[tilespmem:v8+s24+$0x0] =	vst.idx.add.f32.msk $0xffff, v4  }
0x2ee: {  	v2 =	vld.idx.msk [tilespmem:v12+s15+$0x0], $0xffff;
	v8 =	vadd.s32 s1, v1  }
0x2ef: {  	v14 =	vld.idx.msk [tilespmem:v5+s16+$0x0], $0xffff  }
0x2f0: {  	v3 =	vld.idx.msk [tilespmem:v12+s16+$0x0], $0xffff  }
0x2f1: {  	v12 =	vld.idx.msk [tilespmem:v5+s15+$0x0], $0xffff  }
0x2f2: {  	v5 =	vld.idx.msk [tilespmem:v7+s16+$0x0], $0xffff  }
0x2f3: {  	v15 =	vld.idx.msk [tilespmem:v13+s16+$0x0], $0xffff  }
0x2f4: {  	v7 =	vld.idx.msk [tilespmem:v7+s15+$0x0], $0xffff  }
0x2f5: {  	v16 =	vld.idx.msk [tilespmem:v10+s16+$0x0], $0xffff  }
0x2f6: {  	v17 =	vld.idx.msk [tilespmem:v10+s15+$0x0], $0xffff  }
0x2f7: {  	v4 =	vld.idx.msk [tilespmem:v8+s16+$0x0], $0xffff  }
0x2f8: {  	v13 =	vld.idx.msk [tilespmem:v13+s15+$0x0], $0xffff  }
0x2f9: {  	v6 =	vld.idx.msk [tilespmem:v9+s16+$0x0], $0xffff  }
0x2fa: {  	v10 =	vld.idx.msk [tilespmem:v11+s15+$0x0], $0xffff  }
0x2fb: {  	v11 =	vld.idx.msk [tilespmem:v11+s16+$0x0], $0xffff  }
.Ltmp17:
0x2fc: {  	v9 =	vld.idx.msk [tilespmem:v9+s15+$0x0], $0xffff;
	(pc) =	sbr.rel @p1 .LBB2_36-.Ltmp17, $4  }
0x2fd: {  	v8 =	vld.idx.msk [tilespmem:v8+s15+$0x0], $0xffff  }
0x2fe: {  	[tilespmem:v17+s24+$0x0] =	vst.idx.add.f32.msk $0xffff, v16  }
0x2ff: {  	[tilespmem:v12+s24+$0x0] =	vst.idx.add.f32.msk $0xffff, v14  }
0x300: {  	s31 =	simm.s32 $0x258;
	[tilespmem:v13+s24+$0x0] =	vst.idx.add.f32.msk $0xffff, v15  }
0x301: {  	_ =	sdelay $0x3  }
0x302: {  	[tilespmem:v7+s24+$0x0] =	vst.idx.add.f32.msk $0xffff, v5  }
0x303: {  	[tilespmem:v10+s24+$0x0] =	vst.idx.add.f32.msk $0xffff, v11  }
0x304: {  	[tilespmem:v2+s24+$0x0] =	vst.idx.add.f32.msk $0xffff, v3  }
0x305: {  	[tilespmem:v9+s24+$0x0] =	vst.idx.add.f32.msk $0xffff, v6  }
0x306: {  	[tilespmem:v8+s24+$0x0] =	vst.idx.add.f32.msk $0xffff, v4  }
.LBB2_38:
0x307: {  	v2 =	vadd.s32 s31, v1;
	_ =	sdelay $0x4  }
0x308: {  	v3 =	vld.idx.msk [tilespmem:v2+s15+$0x0], $0xffff;
	_ =	sdelay $0x2  }
0x309: {  	p1 =	sne.s32 s31, $0x25C;
	v2 =	vld.idx.msk [tilespmem:v2+s16+$0x0], $0xffff  }
.Ltmp18:
0x30a: {  	_ = 	snop;
	(pc) =	sbr.rel @p1 .LBB2_38-.Ltmp18, $2  }
0x30b: {  	_ =	sdelay $0x2  }
0x30c: {  	s31 =	sadd.s32 $0x1, s31;
	[tilespmem:v3+s24+$0x0] =	vst.idx.add.f32.msk $0xffff, v2  }
0x30d: {  	_ =	swait.ge [sflag:s25], $0x140  }
0x30e: {  	[sflag:s25] =	ssyncset.done $0x0  }
0x30f: {  	[sflag:s25] =	ssyncadd.s32 $0xFFFFFEC0  }
0x310: {  	_ =	swait.ge [sflag:s26], $0x140  }
0x311: {  	[sflag:s26] =	ssyncset.done $0x0  }
0x312: {  	[sflag:s26] =	ssyncadd.s32 $0xFFFFFEC0  }
0x313: {  	_ =	swait.ge [sflag:s26], $0x25D0  }
0x314: {  	s0 =	simm.s32 $0x0;
	[sflag:s26] =	ssyncset.done $0x0  }
0x315: {  	s4 =	simm.s32 $0x6;
	v3 =	vadd.s32 s0, v1;
	[sflag:s26] =	ssyncadd.s32 $0xFFFFDA30  }
0x316: {  	v4 =	vadd.s32 s4, v1;
	_ =	swait.ge [sflag:s26], $0x25D0  }
0x317: {  	[sflag:s26] =	ssyncset.done $0x0  }
0x318: {  	s31 =	simm.s32 $0x1;
	s1 =	simm.s32 $0x7;
	[sflag:s26] =	ssyncadd.s32 $0xFFFFDA30  }
0x319: {  	v6 =	vadd.s32 s31, v1;
	[spmem:s11] =	stream.indirect.scatter.add.f32 [tilespmem:s21], [sflag:$0x6], $0x1, s20, s19, $0xb8;
	[tilespmem:$0xC7F8] =	vst v63  }
0x31a: {  	v8 =	vadd.s32 s1, v1;
	v2 =	vld.idx.msk [tilespmem:v3+s22+$0x0], $0xffff  }
0x31b: {  	s2 =	simm.s32 $0x3;
	v12 =	vld.idx.msk [tilespmem:v4+s23+$0x0], $0xffff  }
0x31c: {  	v9 =	vadd.s32 s2, v1;
	v3 =	vld.idx.msk [tilespmem:v3+s23+$0x0], $0xffff  }
0x31d: {  	s3 =	simm.s32 $0x5;
	v13 =	vld.idx.msk [tilespmem:v4+s22+$0x0], $0xffff  }
0x31e: {  	v14 =	vadd.s32 s3, v1;
	v5 =	vld.idx.msk [tilespmem:v6+s23+$0x0], $0xffff  }
0x31f: {  	s4 =	simm.s32 $0x4;
	v15 =	vld.idx.msk [tilespmem:v8+s23+$0x0], $0xffff  }
0x320: {  	s31 =	simm.s32 $0x2;
	v16 =	vadd.s32 s4, v1;
	v7 =	vld.idx.msk [tilespmem:v6+s22+$0x0], $0xffff  }
0x321: {  	v11 =	vadd.s32 s31, v1;
	v17 =	vld.idx.msk [tilespmem:v9+s23+$0x0], $0xffff  }
0x322: {  	v18 =	vld.idx.msk [tilespmem:v9+s22+$0x0], $0xffff  }
0x323: {  	v4 =	vld.idx.msk [tilespmem:v14+s23+$0x0], $0xffff  }
0x324: {  	v19 =	vld.idx.msk [tilespmem:v8+s22+$0x0], $0xffff  }
0x325: {  	v6 =	vld.idx.msk [tilespmem:v16+s23+$0x0], $0xffff  }
0x326: {  	v10 =	vld.idx.msk [tilespmem:v11+s22+$0x0], $0xffff  }
0x327: {  	v11 =	vld.idx.msk [tilespmem:v11+s23+$0x0], $0xffff  }
0x328: {  	v9 =	vld.idx.msk [tilespmem:v16+s22+$0x0], $0xffff  }
0x329: {  	v8 =	vld.idx.msk [tilespmem:v14+s22+$0x0], $0xffff  }
0x32a: {  	[tilespmem:v18+s24+$0x0] =	vst.idx.add.f32.msk $0xffff, v17  }
0x32b: {  	[tilespmem:v13+s24+$0x0] =	vst.idx.add.f32.msk $0xffff, v12  }
0x32c: {  	s0 =	simm.s32 $0x8;
	[tilespmem:v19+s24+$0x0] =	vst.idx.add.f32.msk $0xffff, v15  }
.LBB2_40:
0x32d: {  	s1 =	sadd.s32 $0x1, s0  }
0x32e: {  	v12 =	vadd.s32 s0, v1;
	s2 =	sadd.s32 $0x6, s0;
	s3 =	sadd.s32 $0x7, s0;
	[tilespmem:v7+s24+$0x0] =	vst.idx.add.f32.msk $0xffff, v5;
	s4 =	smov.u32 s0  }
0x32f: {  	p1 =	slt.u32 s0, $0x250;
	s0 =	sadd.s32 $0x8, s0;
	v7 =	vadd.s32 s1, v1;
	s1 =	sadd.s32 $0x2, s4;
	v5 =	vadd.s32 s2, v1;
	v13 =	vadd.s32 s3, v1;
	[tilespmem:v10+s24+$0x0] =	vst.idx.add.f32.msk $0xffff, v11  }
0x330: {  	v11 =	vadd.s32 s1, v1;
	s1 =	sadd.s32 $0x3, s4;
	[tilespmem:v2+s24+$0x0] =	vst.idx.add.f32.msk $0xffff, v3  }
0x331: {  	v10 =	vadd.s32 s1, v1;
	s1 =	sadd.s32 $0x4, s4;
	[tilespmem:v9+s24+$0x0] =	vst.idx.add.f32.msk $0xffff, v6  }
0x332: {  	v9 =	vadd.s32 s1, v1;
	s1 =	sadd.s32 $0x5, s4;
	[tilespmem:v8+s24+$0x0] =	vst.idx.add.f32.msk $0xffff, v4  }
0x333: {  	v2 =	vld.idx.msk [tilespmem:v12+s22+$0x0], $0xffff;
	v8 =	vadd.s32 s1, v1  }
0x334: {  	v14 =	vld.idx.msk [tilespmem:v5+s23+$0x0], $0xffff  }
0x335: {  	v3 =	vld.idx.msk [tilespmem:v12+s23+$0x0], $0xffff  }
0x336: {  	v12 =	vld.idx.msk [tilespmem:v5+s22+$0x0], $0xffff  }
0x337: {  	v5 =	vld.idx.msk [tilespmem:v7+s23+$0x0], $0xffff  }
0x338: {  	v15 =	vld.idx.msk [tilespmem:v13+s23+$0x0], $0xffff  }
0x339: {  	v7 =	vld.idx.msk [tilespmem:v7+s22+$0x0], $0xffff  }
0x33a: {  	v16 =	vld.idx.msk [tilespmem:v10+s23+$0x0], $0xffff  }
0x33b: {  	v17 =	vld.idx.msk [tilespmem:v10+s22+$0x0], $0xffff  }
0x33c: {  	v4 =	vld.idx.msk [tilespmem:v8+s23+$0x0], $0xffff  }
0x33d: {  	v13 =	vld.idx.msk [tilespmem:v13+s22+$0x0], $0xffff  }
0x33e: {  	v6 =	vld.idx.msk [tilespmem:v9+s23+$0x0], $0xffff  }
0x33f: {  	v10 =	vld.idx.msk [tilespmem:v11+s22+$0x0], $0xffff  }
0x340: {  	v11 =	vld.idx.msk [tilespmem:v11+s23+$0x0], $0xffff  }
.Ltmp19:
0x341: {  	v9 =	vld.idx.msk [tilespmem:v9+s22+$0x0], $0xffff;
	(pc) =	sbr.rel @p1 .LBB2_40-.Ltmp19, $4  }
0x342: {  	v8 =	vld.idx.msk [tilespmem:v8+s22+$0x0], $0xffff  }
0x343: {  	[tilespmem:v17+s24+$0x0] =	vst.idx.add.f32.msk $0xffff, v16  }
0x344: {  	[tilespmem:v12+s24+$0x0] =	vst.idx.add.f32.msk $0xffff, v14  }
0x345: {  	s31 =	simm.s32 $0x258;
	[tilespmem:v13+s24+$0x0] =	vst.idx.add.f32.msk $0xffff, v15  }
0x346: {  	_ =	sdelay $0x3  }
0x347: {  	[tilespmem:v7+s24+$0x0] =	vst.idx.add.f32.msk $0xffff, v5  }
0x348: {  	[tilespmem:v10+s24+$0x0] =	vst.idx.add.f32.msk $0xffff, v11  }
0x349: {  	[tilespmem:v2+s24+$0x0] =	vst.idx.add.f32.msk $0xffff, v3  }
0x34a: {  	[tilespmem:v9+s24+$0x0] =	vst.idx.add.f32.msk $0xffff, v6  }
0x34b: {  	[tilespmem:v8+s24+$0x0] =	vst.idx.add.f32.msk $0xffff, v4  }
.LBB2_42:
0x34c: {  	v2 =	vadd.s32 s31, v1;
	_ =	sdelay $0x4  }
0x34d: {  	v3 =	vld.idx.msk [tilespmem:v2+s22+$0x0], $0xffff;
	_ =	sdelay $0x2  }
0x34e: {  	p1 =	sne.s32 s31, $0x25C;
	v2 =	vld.idx.msk [tilespmem:v2+s23+$0x0], $0xffff  }
.Ltmp20:
0x34f: {  	_ = 	snop;
	(pc) =	sbr.rel @p1 .LBB2_42-.Ltmp20, $2  }
0x350: {  	_ =	sdelay $0x2  }
0x351: {  	s31 =	sadd.s32 $0x1, s31;
	[tilespmem:v3+s24+$0x0] =	vst.idx.add.f32.msk $0xffff, v2  }
0x352: {  	_ =	swait.ge [sflag:s28], $0x140  }
0x353: {  	[sflag:s28] =	ssyncset.done $0x0  }
0x354: {  	[sflag:s28] =	ssyncadd.s32 $0xFFFFFEC0  }
0x355: {  	_ =	swait.ge [sflag:s29], $0x140  }
0x356: {  	[sflag:s29] =	ssyncset.done $0x0  }
0x357: {  	s0 =	simm.s32 $0x80;
	s1 =	simm.s32 $0x400;
	[sflag:s29] =	ssyncadd.s32 $0xFFFFFEC0  }
0x358: {  	[hbm4b:s10+s0] =	stream.strided.scatter [tilespmem:s24], [sflag:$0x7], $0x2780, s1, s0, $0x38;
	[tilespmem:$0xC7F8] =	vst v63  }
0x359: {  	s2 =	simm.s32 @!p0 $0x80;
	_ =	swait.ge [sflag:s30], $0x2780  }
0x35a: {  	s3 =	simm.s32 @!p0 $0x10;
	s9 =	sadd.s32 $0x1, s9;
	[sflag:s30] =	ssyncset.done $0x0  }
0x35b: {  	s4 =	simm.s32 @!p0 $0x1C07;
	p1 =	sne.s32 s9, s13;
	[sflag:s30] =	ssyncadd.s32 $0xFFFFD880  }
0x35c: {  	s0 =	sshrl.u32 @!p0 s11, $0x3;
	s1 =	simm.s32 @!p0 $0x1;
	[bflag:$0x0] =	sbarrier.arrive $0xFFFF  }
0x35d: {  	[hbm:s12@s2], [sflag:s4] =	dma.strided @!p0 [spmem:s0@s3], $0x4F0, s1, $0x10   }
.Ltmp21:
0x35e: {  	_ = 	snop;
	(pc) =	sbr.rel @p1 .LBB2_1-.Ltmp21, $4  }
0x35f: {  	s0 =	simm.s32 @!p0 $0x7  }
0x360: {  	_ =	swait.ge @!p0 [sflag:s0], $0x4F0  }
0x361: {  	[sflag:s0] =	ssyncset.done @!p0 $0x0  }
0x362: {  	[sflag:s0] =	ssyncadd.s32 @!p0 $0xFFFFFB10  }
0x363: {  	_ =	sfence.sel $0x180000  }
0x364: {  	[bflag:$0x0] =	sbarrier.arrive $0xFFFF  }
0x365: {  	_ =	strace $0x90000047  }
0x366: {  	[bflag:$0x2] =	sbarrier.arrive $0xFFFF  }
0x367: {  	s0 =	rddreg [dreg:$0x4]  }
0x368: {  	s0 =	sadd.s32 @!p0 $0x100000, s0  }
0x369: {  	[sflag:s0] =	ssyncadd.tile.s32 @!p0 $0x1;
	_ =	shalt  }
.Lfunc_end2:
_tile_overlayer_lowered:
.L_overlay_start_2:
0x36a: {  	(tag) =	ssettag $0x2  }
0x36b: {  	s0 =	rddreg [dreg:$0x0];
	s2 =	stileid.u32  }
0x36c: {  	s1 =	rddreg [dreg:$0x1];
	p0 =	sne.s32 s2, $0x0  }
0x36d: {  	s3 =	rddreg [dreg:$0x2];
	[bflag:$0x3] =	sbarrier.arrive $0xFFFF;
	s2 =	simm.s32 @!p0 $0x1C07  }
0x36e: {  	[timem:s3], [sflag:s2] =	dma.local @!p0 [hbm:s0], s1  }
0x36f: {  	s0 =	simm.s32 @!p0 $0x7  }
0x370: {  	_ =	swait.ge @!p0 [sflag:s0], s1  }
0x371: {  	s1 =	ssub.s32 @!p0 $0x0, s1;
	[sflag:s0] =	ssyncset.done @!p0 $0x0  }
0x372: {  	[sflag:s0] =	ssyncadd.s32 @!p0 s1  }
0x373: {  	[bflag:$0x3] =	sbarrier.arrive $0xFFFF  }
0x374: {  	_ =	shalt  }

</sc_bundles>
